<compile_context>
chip_gen: v7x
topology: tpu7x:2x2x1
jax: 0.10.2.dev20260603
libtpu: 0.0.44.dev20260713+nightly
codegen_flags: <defaults>
</compile_context>

<pallas_src>
import functools

import jax
import jax.numpy as jnp
from jax import lax
from jax.experimental import pallas as pl
from jax.experimental.pallas import tpu as pltpu
from jax.experimental.pallas import tpu_sc as plsc

DIM = 2048
NUM_EXPERTS = 16
TOP_K = 2
T = 16384
TT = 1024

NC = 2
NS = 16
NW = NC * NS
CHUNK = T // NW
GROUPS = CHUNK // 16


def _gate_body(x_ref, w_ref, sc_ref):
    logits = lax.dot_general(
        w_ref[...], x_ref[...],
        dimension_numbers=(((1,), (1,)), ((), ())),
        preferred_element_type=jnp.float32,
    )
    scores = jax.nn.sigmoid(logits)
    for j in range(TT // CHUNK):
        sc_ref[j] = scores[:, j * CHUNK:(j + 1) * CHUNK]


def _gate(x, W):
    return pl.pallas_call(
        _gate_body,
        grid=(T // TT,),
        in_specs=[
            pl.BlockSpec((TT, DIM), lambda i: (i, 0)),
            pl.BlockSpec((NUM_EXPERTS, DIM), lambda i: (0, 0)),
        ],
        out_specs=pl.BlockSpec((TT // CHUNK, NUM_EXPERTS, CHUNK), lambda i: (i, 0, 0)),
        out_shape=jax.ShapeDtypeStruct((NW, NUM_EXPERTS, CHUNK), jnp.float32),
    )(x, W)


def _route_body(scores_hbm, bias_hbm, ts_hbm, se_hbm, cnt_hbm,
                scores_v, bias_v, ts1_v, ts2_v, se1_v, se2_v,
                accmat_v):
    cid = lax.axis_index("c")
    sid = lax.axis_index("s")
    wid = sid * NC + cid
    tbase = wid * CHUNK

    pltpu.sync_copy(scores_hbm.at[wid], scores_v)
    pltpu.sync_copy(bias_hbm, bias_v)
    bvec = bias_v[...]

    def group(g, cnt_i):
        base = g * 16
        vecs = [scores_v[e, pl.ds(base, 16)] for e in range(NUM_EXPERTS)]
        m1 = vecs[0] + bvec[0]
        s1 = vecs[0]
        idx1 = jnp.zeros((16,), jnp.int32)
        for e in range(1, NUM_EXPERTS):
            be = vecs[e] + bvec[e]
            gt = be > m1
            m1 = jnp.where(gt, be, m1)
            s1 = jnp.where(gt, vecs[e], s1)
            idx1 = jnp.where(gt, jnp.full((16,), e, jnp.int32), idx1)
        m2 = jnp.full((16,), -jnp.inf, jnp.float32)
        s2 = jnp.zeros((16,), jnp.float32)
        idx2 = jnp.zeros((16,), jnp.int32)
        for e in range(NUM_EXPERTS):
            be = vecs[e] + bvec[e]
            ok = jnp.logical_and(idx1 != e, be > m2)
            m2 = jnp.where(ok, be, m2)
            s2 = jnp.where(ok, vecs[e], s2)
            idx2 = jnp.where(ok, jnp.full((16,), e, jnp.int32), idx2)
        ts1_v[pl.ds(base, 16)] = s1
        ts2_v[pl.ds(base, 16)] = s2
        se1_v[pl.ds(base, 16)] = idx1
        se2_v[pl.ds(base, 16)] = idx2
        one = jnp.ones((16,), jnp.int32)
        zero = jnp.zeros((16,), jnp.int32)
        cnt_i = tuple(
            cnt_i[e]
            + jnp.where(idx1 == e, one, zero)
            + jnp.where(idx2 == e, one, zero)
            for e in range(NUM_EXPERTS)
        )
        return cnt_i

    cnt_i = lax.fori_loop(
        0, GROUPS, group,
        tuple(jnp.zeros((16,), jnp.int32) for _ in range(NUM_EXPERTS)),
    )
    for e in range(NUM_EXPERTS):
        accmat_v[e, :] = cnt_i[e].astype(jnp.float32)

    pltpu.sync_copy(ts1_v, ts_hbm.at[0, pl.ds(tbase, CHUNK)])
    pltpu.sync_copy(ts2_v, ts_hbm.at[1, pl.ds(tbase, CHUNK)])
    pltpu.sync_copy(se1_v, se_hbm.at[0, pl.ds(tbase, CHUNK)])
    pltpu.sync_copy(se2_v, se_hbm.at[1, pl.ds(tbase, CHUNK)])

    pltpu.sync_copy(accmat_v, cnt_hbm.at[pl.ds(wid * NUM_EXPERTS, NUM_EXPERTS), :])


_route = functools.partial(
    pl.kernel,
    _route_body,
    out_type=[
        jax.ShapeDtypeStruct((TOP_K, T), jnp.float32),
        jax.ShapeDtypeStruct((TOP_K, T), jnp.int32),
        jax.ShapeDtypeStruct((NW * NUM_EXPERTS, NUM_EXPERTS), jnp.float32),
    ],
    mesh=plsc.VectorSubcoreMesh(core_axis_name="c", subcore_axis_name="s"),
    scratch_types=[
        pltpu.VMEM((NUM_EXPERTS, CHUNK), jnp.float32),
        pltpu.VMEM((NUM_EXPERTS,), jnp.float32),
        pltpu.VMEM((CHUNK,), jnp.float32),
        pltpu.VMEM((CHUNK,), jnp.float32),
        pltpu.VMEM((CHUNK,), jnp.int32),
        pltpu.VMEM((CHUNK,), jnp.int32),
        pltpu.VMEM((NUM_EXPERTS, 16), jnp.float32),
    ],
)


def kernel(x, W, expert_bias):
    scores_t = _gate(x, W)
    ts_t, se_t, cntmat = _route()(scores_t, expert_bias)
    counts = cntmat.reshape(NW, NUM_EXPERTS, 16).sum(axis=(0, 2))
    return ts_t.T, se_t.T, counts

# --- scband reference (transcript-rebuilt; emitter-appended) ---
"""Pipeline reference for scband-top-krouter-10222022165062 (READ-ONLY COPY).

The authoritative reference and input builder live on the scoring server;
editing this copy changes nothing except your own understanding.
"""

import jax, jax.numpy as jnp
import numpy as np

DIM = 2048
NUM_EXPERTS = 16
TOP_K = 2
T = 16384


def setup_inputs(seed: int = 0) -> dict:
    key = jax.random.key(seed)
    k1, k2 = jax.random.split(key)
    x = jax.random.normal(k1, (T, DIM), dtype=jnp.float32)
    # nn.Linear(dim, num_experts, bias=False) weight: (num_experts, dim)
    W = jax.random.normal(k2, (NUM_EXPERTS, DIM), dtype=jnp.float32) * (1.0 / np.sqrt(DIM))
    expert_bias = jnp.zeros((NUM_EXPERTS,), dtype=jnp.float32)
    return {"x": x, "W": W, "expert_bias": expert_bias}


def reference(x, W, expert_bias):
    # gate: logits = x @ W^T  -> (T, num_experts)
    logits = x @ W.T
    scores = jax.nn.sigmoid(logits.astype(jnp.float32))
    biased_scores = scores + expert_bias
    # torch.topk(..., sorted=False); lax.top_k returns sorted values but the
    # selected set and gathered scores are identical up to ordering.
    _, selected_experts = jax.lax.top_k(biased_scores, TOP_K)
    top_scores = jnp.take_along_axis(scores, selected_experts, axis=-1)
    # torch.histc(selected.float(), bins=E, min=0, max=E) over integer expert ids
    # is equivalent to a bincount with length=E.
    num_tokens_per_expert = jnp.bincount(
        selected_experts.reshape(-1), length=NUM_EXPERTS
    ).astype(jnp.float32)
    return (top_scores, selected_experts, num_tokens_per_expert)

if __name__ == "__main__":
    import jax
    _d = setup_inputs()
    print(jax.jit(kernel)(*tuple(_d.values())))

</pallas_src>

<mosaic_0001>
#map = affine_map<(d0, d1) -> (0, 0, 0)>
#map1 = affine_map<(d0, d1) -> (0)>
#map2 = affine_map<(d0, d1) -> (0, 0)>
module attributes {stable_mosaic.version = 14 : i64} {
  func.func @_route_body(%arg0: i32, %arg1: i32, %arg2: memref<32x16x512xf32, #tpu.memory_space<hbm>>, %arg3: memref<16xf32, #tpu.memory_space<hbm>>, %arg4: memref<2x16384xf32, #tpu.memory_space<hbm>>, %arg5: memref<2x16384xi32, #tpu.memory_space<hbm>>, %arg6: memref<512x16xf32, #tpu.memory_space<hbm>>, %arg7: memref<16x512xf32, #tpu.memory_space<vmem>>, %arg8: memref<16xf32, #tpu.memory_space<vmem>>, %arg9: memref<512xf32, #tpu.memory_space<vmem>>, %arg10: memref<512xf32, #tpu.memory_space<vmem>>, %arg11: memref<512xi32, #tpu.memory_space<vmem>>, %arg12: memref<512xi32, #tpu.memory_space<vmem>>, %arg13: memref<16x16xf32, #tpu.memory_space<vmem>>) attributes {dimension_semantics = [#tpu.dimension_semantics<core_parallel>, #tpu.dimension_semantics<subcore_parallel>], iteration_bounds = array<i64: 2, 16>, scalar_prefetch = 0 : i64, scratch_operands = 7 : i64, tpu.core_type = #tpu.core_type<sc_vector_subcore>, window_params = [{transform_indices = #map}, {transform_indices = #map1}, {transform_indices = #map2}, {transform_indices = #map2}, {transform_indices = #map2}]} {
    %mul3A = arith.constant 2 : i32
    %mul3A_0 = arith.muli %arg1, %mul3A : i32
    %add3A = arith.addi %mul3A_0, %arg0 : i32
    %mul3A_1 = arith.constant 512 : i32
    %mul3A_2 = arith.muli %add3A, %mul3A_1 : i32
    "tpu.region"() ({
      %run_scoped3A_156 = tpu.sem_alloc : memref<!tpu.dma_semaphore, #tpu.memory_space<semaphore_mem>>
      %dma_start3A = arith.constant 0 : i32
      %dma_start3A_157 = arith.constant 0 : i32
      %dma_start3A_158 = tpu.memref_slice %arg2[%add3A, %dma_start3A, %dma_start3A_157] : memref<32x16x512xf32, #tpu.memory_space<hbm>> -> memref<1x16x512xf32, #tpu.memory_space<hbm>>
      %dma_start3A_159 = tpu.memref_squeeze %dma_start3A_158 : memref<1x16x512xf32, #tpu.memory_space<hbm>> -> memref<16x512xf32, #tpu.memory_space<hbm>>
      %dma_start3A_160 = arith.constant 0 : i32
      %dma_start3A_161 = arith.constant 0 : i32
      %dma_start3A_162 = tpu.memref_slice %arg2[%add3A, %dma_start3A_160, %dma_start3A_161] : memref<32x16x512xf32, #tpu.memory_space<hbm>> -> memref<1x16x512xf32, #tpu.memory_space<hbm>>
      %dma_start3A_163 = tpu.memref_squeeze %dma_start3A_162 : memref<1x16x512xf32, #tpu.memory_space<hbm>> -> memref<16x512xf32, #tpu.memory_space<hbm>>
      tpu.enqueue_dma source(%dma_start3A_163 : memref<16x512xf32, #tpu.memory_space<hbm>>) target(%arg7 : memref<16x512xf32, #tpu.memory_space<vmem>>) target_semaphore(%run_scoped3A_156 : memref<!tpu.dma_semaphore, #tpu.memory_space<semaphore_mem>>)
      %dma_wait3A = arith.constant 0 : i32
      %dma_wait3A_164 = arith.constant 0 : i32
      %dma_wait3A_165 = tpu.memref_slice %arg2[%add3A, %dma_wait3A, %dma_wait3A_164] : memref<32x16x512xf32, #tpu.memory_space<hbm>> -> memref<1x16x512xf32, #tpu.memory_space<hbm>>
      %dma_wait3A_166 = tpu.memref_squeeze %dma_wait3A_165 : memref<1x16x512xf32, #tpu.memory_space<hbm>> -> memref<16x512xf32, #tpu.memory_space<hbm>>
      %dma_wait3A_167 = arith.constant 0 : i32
      %dma_wait3A_168 = arith.constant 0 : i32
      %dma_wait3A_169 = tpu.memref_slice %arg2[%add3A, %dma_wait3A_167, %dma_wait3A_168] : memref<32x16x512xf32, #tpu.memory_space<hbm>> -> memref<1x16x512xf32, #tpu.memory_space<hbm>>
      %dma_wait3A_170 = tpu.memref_squeeze %dma_wait3A_169 : memref<1x16x512xf32, #tpu.memory_space<hbm>> -> memref<16x512xf32, #tpu.memory_space<hbm>>
      tpu.wait_dma2 semaphore(%run_scoped3A_156 : memref<!tpu.dma_semaphore, #tpu.memory_space<semaphore_mem>>) src(%dma_wait3A_170 : memref<16x512xf32, #tpu.memory_space<hbm>>) dst(%arg7 : memref<16x512xf32, #tpu.memory_space<vmem>>)
      tpu.yield
    }) : () -> ()
    "tpu.region"() ({
      %run_scoped3A_156 = tpu.sem_alloc : memref<!tpu.dma_semaphore, #tpu.memory_space<semaphore_mem>>
      tpu.enqueue_dma source(%arg3 : memref<16xf32, #tpu.memory_space<hbm>>) target(%arg8 : memref<16xf32, #tpu.memory_space<vmem>>) target_semaphore(%run_scoped3A_156 : memref<!tpu.dma_semaphore, #tpu.memory_space<semaphore_mem>>)
      tpu.wait_dma2 semaphore(%run_scoped3A_156 : memref<!tpu.dma_semaphore, #tpu.memory_space<semaphore_mem>>) src(%arg3 : memref<16xf32, #tpu.memory_space<hbm>>) dst(%arg8 : memref<16xf32, #tpu.memory_space<vmem>>)
      tpu.yield
    }) : () -> ()
    %get3A = arith.constant 0 : index
    %get3A_3 = tpu.vector_load %arg8[%get3A] {strides = array<i32>} : memref<16xf32, #tpu.memory_space<vmem>>, vector<16xf32>,
    %get3A_4 = vector.shape_cast %get3A_3 : vector<16xf32> to vector<16xf32>
    %broadcast_in_dim3A = arith.constant 0 : i32
    %broadcast_in_dim3A_5 = vector.broadcast %broadcast_in_dim3A : i32 to vector<16xi32>
    %broadcast_in_dim3A_6 = arith.constant 0 : i32
    %broadcast_in_dim3A_7 = vector.broadcast %broadcast_in_dim3A_6 : i32 to vector<16xi32>
    %broadcast_in_dim3A_8 = arith.constant 0 : i32
    %broadcast_in_dim3A_9 = vector.broadcast %broadcast_in_dim3A_8 : i32 to vector<16xi32>
    %broadcast_in_dim3A_10 = arith.constant 0 : i32
    %broadcast_in_dim3A_11 = vector.broadcast %broadcast_in_dim3A_10 : i32 to vector<16xi32>
    %broadcast_in_dim3A_12 = arith.constant 0 : i32
    %broadcast_in_dim3A_13 = vector.broadcast %broadcast_in_dim3A_12 : i32 to vector<16xi32>
    %broadcast_in_dim3A_14 = arith.constant 0 : i32
    %broadcast_in_dim3A_15 = vector.broadcast %broadcast_in_dim3A_14 : i32 to vector<16xi32>
    %broadcast_in_dim3A_16 = arith.constant 0 : i32
    %broadcast_in_dim3A_17 = vector.broadcast %broadcast_in_dim3A_16 : i32 to vector<16xi32>
    %broadcast_in_dim3A_18 = arith.constant 0 : i32
    %broadcast_in_dim3A_19 = vector.broadcast %broadcast_in_dim3A_18 : i32 to vector<16xi32>
    %broadcast_in_dim3A_20 = arith.constant 0 : i32
    %broadcast_in_dim3A_21 = vector.broadcast %broadcast_in_dim3A_20 : i32 to vector<16xi32>
    %broadcast_in_dim3A_22 = arith.constant 0 : i32
    %broadcast_in_dim3A_23 = vector.broadcast %broadcast_in_dim3A_22 : i32 to vector<16xi32>
    %broadcast_in_dim3A_24 = arith.constant 0 : i32
    %broadcast_in_dim3A_25 = vector.broadcast %broadcast_in_dim3A_24 : i32 to vector<16xi32>
    %broadcast_in_dim3A_26 = arith.constant 0 : i32
    %broadcast_in_dim3A_27 = vector.broadcast %broadcast_in_dim3A_26 : i32 to vector<16xi32>
    %broadcast_in_dim3A_28 = arith.constant 0 : i32
    %broadcast_in_dim3A_29 = vector.broadcast %broadcast_in_dim3A_28 : i32 to vector<16xi32>
    %broadcast_in_dim3A_30 = arith.constant 0 : i32
    %broadcast_in_dim3A_31 = vector.broadcast %broadcast_in_dim3A_30 : i32 to vector<16xi32>
    %broadcast_in_dim3A_32 = arith.constant 0 : i32
    %broadcast_in_dim3A_33 = vector.broadcast %broadcast_in_dim3A_32 : i32 to vector<16xi32>
    %broadcast_in_dim3A_34 = arith.constant 0 : i32
    %broadcast_in_dim3A_35 = vector.broadcast %broadcast_in_dim3A_34 : i32 to vector<16xi32>
    %scan3A = arith.constant 0 : i32
    %scan3A_36 = arith.constant 32 : i32
    %scan3A_37 = arith.addi %scan3A, %scan3A_36 : i32
    %scan3A_38 = arith.constant 1 : i32
    %scan3A_39:16 = scf.for %scan3A_156 = %scan3A to %scan3A_37 step %scan3A_38 iter_args(%scan3A_157 = %broadcast_in_dim3A_5, %scan3A_158 = %broadcast_in_dim3A_7, %scan3A_159 = %broadcast_in_dim3A_9, %scan3A_160 = %broadcast_in_dim3A_11, %scan3A_161 = %broadcast_in_dim3A_13, %scan3A_162 = %broadcast_in_dim3A_15, %scan3A_163 = %broadcast_in_dim3A_17, %scan3A_164 = %broadcast_in_dim3A_19, %scan3A_165 = %broadcast_in_dim3A_21, %scan3A_166 = %broadcast_in_dim3A_23, %scan3A_167 = %broadcast_in_dim3A_25, %scan3A_168 = %broadcast_in_dim3A_27, %scan3A_169 = %broadcast_in_dim3A_29, %scan3A_170 = %broadcast_in_dim3A_31, %scan3A_171 = %broadcast_in_dim3A_33, %scan3A_172 = %broadcast_in_dim3A_35) -> (vector<16xi32>, vector<16xi32>, vector<16xi32>, vector<16xi32>, vector<16xi32>, vector<16xi32>, vector<16xi32>, vector<16xi32>, vector<16xi32>, vector<16xi32>, vector<16xi32>, vector<16xi32>, vector<16xi32>, vector<16xi32>, vector<16xi32>, vector<16xi32>)  : i32 {
      %mul3A_173 = arith.constant 16 : i32
      %mul3A_174 = arith.muli %scan3A_156, %mul3A_173 : i32
      %get3A_175 = arith.constant 0 : i32
      %get3A_176 = arith.index_cast %get3A_175 : i32 to index
      %get3A_177 = arith.index_cast %mul3A_174 : i32 to index
      %get3A_178 = tpu.vector_load %arg7[%get3A_176, %get3A_177] {strides = array<i32>} : memref<16x512xf32, #tpu.memory_space<vmem>>, vector<1x16xf32>,
      %get3A_179 = vector.shape_cast %get3A_178 : vector<1x16xf32> to vector<16xf32>
      %get3A_180 = arith.constant 1 : i32
      %get3A_181 = arith.index_cast %get3A_180 : i32 to index
      %get3A_182 = arith.index_cast %mul3A_174 : i32 to index
      %get3A_183 = tpu.vector_load %arg7[%get3A_181, %get3A_182] {strides = array<i32>} : memref<16x512xf32, #tpu.memory_space<vmem>>, vector<1x16xf32>,
      %get3A_184 = vector.shape_cast %get3A_183 : vector<1x16xf32> to vector<16xf32>
      %get3A_185 = arith.constant 2 : i32
      %get3A_186 = arith.index_cast %get3A_185 : i32 to index
      %get3A_187 = arith.index_cast %mul3A_174 : i32 to index
      %get3A_188 = tpu.vector_load %arg7[%get3A_186, %get3A_187] {strides = array<i32>} : memref<16x512xf32, #tpu.memory_space<vmem>>, vector<1x16xf32>,
      %get3A_189 = vector.shape_cast %get3A_188 : vector<1x16xf32> to vector<16xf32>
      %get3A_190 = arith.constant 3 : i32
      %get3A_191 = arith.index_cast %get3A_190 : i32 to index
      %get3A_192 = arith.index_cast %mul3A_174 : i32 to index
      %get3A_193 = tpu.vector_load %arg7[%get3A_191, %get3A_192] {strides = array<i32>} : memref<16x512xf32, #tpu.memory_space<vmem>>, vector<1x16xf32>,
      %get3A_194 = vector.shape_cast %get3A_193 : vector<1x16xf32> to vector<16xf32>
      %get3A_195 = arith.constant 4 : i32
      %get3A_196 = arith.index_cast %get3A_195 : i32 to index
      %get3A_197 = arith.index_cast %mul3A_174 : i32 to index
      %get3A_198 = tpu.vector_load %arg7[%get3A_196, %get3A_197] {strides = array<i32>} : memref<16x512xf32, #tpu.memory_space<vmem>>, vector<1x16xf32>,
      %get3A_199 = vector.shape_cast %get3A_198 : vector<1x16xf32> to vector<16xf32>
      %get3A_200 = arith.constant 5 : i32
      %get3A_201 = arith.index_cast %get3A_200 : i32 to index
      %get3A_202 = arith.index_cast %mul3A_174 : i32 to index
      %get3A_203 = tpu.vector_load %arg7[%get3A_201, %get3A_202] {strides = array<i32>} : memref<16x512xf32, #tpu.memory_space<vmem>>, vector<1x16xf32>,
      %get3A_204 = vector.shape_cast %get3A_203 : vector<1x16xf32> to vector<16xf32>
      %get3A_205 = arith.constant 6 : i32
      %get3A_206 = arith.index_cast %get3A_205 : i32 to index
      %get3A_207 = arith.index_cast %mul3A_174 : i32 to index
      %get3A_208 = tpu.vector_load %arg7[%get3A_206, %get3A_207] {strides = array<i32>} : memref<16x512xf32, #tpu.memory_space<vmem>>, vector<1x16xf32>,
      %get3A_209 = vector.shape_cast %get3A_208 : vector<1x16xf32> to vector<16xf32>
      %get3A_210 = arith.constant 7 : i32
      %get3A_211 = arith.index_cast %get3A_210 : i32 to index
      %get3A_212 = arith.index_cast %mul3A_174 : i32 to index
      %get3A_213 = tpu.vector_load %arg7[%get3A_211, %get3A_212] {strides = array<i32>} : memref<16x512xf32, #tpu.memory_space<vmem>>, vector<1x16xf32>,
      %get3A_214 = vector.shape_cast %get3A_213 : vector<1x16xf32> to vector<16xf32>
      %get3A_215 = arith.constant 8 : i32
      %get3A_216 = arith.index_cast %get3A_215 : i32 to index
      %get3A_217 = arith.index_cast %mul3A_174 : i32 to index
      %get3A_218 = tpu.vector_load %arg7[%get3A_216, %get3A_217] {strides = array<i32>} : memref<16x512xf32, #tpu.memory_space<vmem>>, vector<1x16xf32>,
      %get3A_219 = vector.shape_cast %get3A_218 : vector<1x16xf32> to vector<16xf32>
      %get3A_220 = arith.constant 9 : i32
      %get3A_221 = arith.index_cast %get3A_220 : i32 to index
      %get3A_222 = arith.index_cast %mul3A_174 : i32 to index
      %get3A_223 = tpu.vector_load %arg7[%get3A_221, %get3A_222] {strides = array<i32>} : memref<16x512xf32, #tpu.memory_space<vmem>>, vector<1x16xf32>,
      %get3A_224 = vector.shape_cast %get3A_223 : vector<1x16xf32> to vector<16xf32>
      %get3A_225 = arith.constant 10 : i32
      %get3A_226 = arith.index_cast %get3A_225 : i32 to index
      %get3A_227 = arith.index_cast %mul3A_174 : i32 to index
      %get3A_228 = tpu.vector_load %arg7[%get3A_226, %get3A_227] {strides = array<i32>} : memref<16x512xf32, #tpu.memory_space<vmem>>, vector<1x16xf32>,
      %get3A_229 = vector.shape_cast %get3A_228 : vector<1x16xf32> to vector<16xf32>
      %get3A_230 = arith.constant 11 : i32
      %get3A_231 = arith.index_cast %get3A_230 : i32 to index
      %get3A_232 = arith.index_cast %mul3A_174 : i32 to index
      %get3A_233 = tpu.vector_load %arg7[%get3A_231, %get3A_232] {strides = array<i32>} : memref<16x512xf32, #tpu.memory_space<vmem>>, vector<1x16xf32>,
      %get3A_234 = vector.shape_cast %get3A_233 : vector<1x16xf32> to vector<16xf32>
      %get3A_235 = arith.constant 12 : i32
      %get3A_236 = arith.index_cast %get3A_235 : i32 to index
      %get3A_237 = arith.index_cast %mul3A_174 : i32 to index
      %get3A_238 = tpu.vector_load %arg7[%get3A_236, %get3A_237] {strides = array<i32>} : memref<16x512xf32, #tpu.memory_space<vmem>>, vector<1x16xf32>,
      %get3A_239 = vector.shape_cast %get3A_238 : vector<1x16xf32> to vector<16xf32>
      %get3A_240 = arith.constant 13 : i32
      %get3A_241 = arith.index_cast %get3A_240 : i32 to index
      %get3A_242 = arith.index_cast %mul3A_174 : i32 to index
      %get3A_243 = tpu.vector_load %arg7[%get3A_241, %get3A_242] {strides = array<i32>} : memref<16x512xf32, #tpu.memory_space<vmem>>, vector<1x16xf32>,
      %get3A_244 = vector.shape_cast %get3A_243 : vector<1x16xf32> to vector<16xf32>
      %get3A_245 = arith.constant 14 : i32
      %get3A_246 = arith.index_cast %get3A_245 : i32 to index
      %get3A_247 = arith.index_cast %mul3A_174 : i32 to index
      %get3A_248 = tpu.vector_load %arg7[%get3A_246, %get3A_247] {strides = array<i32>} : memref<16x512xf32, #tpu.memory_space<vmem>>, vector<1x16xf32>,
      %get3A_249 = vector.shape_cast %get3A_248 : vector<1x16xf32> to vector<16xf32>
      %get3A_250 = arith.constant 15 : i32
      %get3A_251 = arith.index_cast %get3A_250 : i32 to index
      %get3A_252 = arith.index_cast %mul3A_174 : i32 to index
      %get3A_253 = tpu.vector_load %arg7[%get3A_251, %get3A_252] {strides = array<i32>} : memref<16x512xf32, #tpu.memory_space<vmem>>, vector<1x16xf32>,
      %get3A_254 = vector.shape_cast %get3A_253 : vector<1x16xf32> to vector<16xf32>
      %slice3A = vector.extract_strided_slice %get3A_4 {offsets = [0], sizes = [1], strides = [1]} : vector<16xf32> to vector<1xf32>
      %squeeze3A = vector.extract %slice3A[0] : f32 from vector<1xf32>
      %add3A_255 = vector.broadcast %squeeze3A : f32 to vector<16xf32>
      %add3A_256 = arith.addf %get3A_179, %add3A_255 : vector<16xf32>
      %broadcast_in_dim3A_257 = arith.constant 0 : i32
      %broadcast_in_dim3A_258 = vector.broadcast %broadcast_in_dim3A_257 : i32 to vector<16xi32>
      %slice3A_259 = vector.extract_strided_slice %get3A_4 {offsets = [1], sizes = [1], strides = [1]} : vector<16xf32> to vector<1xf32>
      %squeeze3A_260 = vector.extract %slice3A_259[0] : f32 from vector<1xf32>
      %add3A_261 = vector.broadcast %squeeze3A_260 : f32 to vector<16xf32>
      %add3A_262 = arith.addf %get3A_184, %add3A_261 : vector<16xf32>
      %gt3A = arith.cmpf ogt, %add3A_262, %add3A_256 : vector<16xf32>
      %select_n3A = arith.select %gt3A, %add3A_262, %add3A_256 : vector<16xi1>, vector<16xf32>
      %select_n3A_263 = arith.select %gt3A, %get3A_184, %get3A_179 : vector<16xi1>, vector<16xf32>
      %broadcast_in_dim3A_264 = arith.constant 1 : i32
      %broadcast_in_dim3A_265 = vector.broadcast %broadcast_in_dim3A_264 : i32 to vector<16xi32>
      %select_n3A_266 = arith.select %gt3A, %broadcast_in_dim3A_265, %broadcast_in_dim3A_258 : vector<16xi1>, vector<16xi32>
      %slice3A_267 = vector.extract_strided_slice %get3A_4 {offsets = [2], sizes = [1], strides = [1]} : vector<16xf32> to vector<1xf32>
      %squeeze3A_268 = vector.extract %slice3A_267[0] : f32 from vector<1xf32>
      %add3A_269 = vector.broadcast %squeeze3A_268 : f32 to vector<16xf32>
      %add3A_270 = arith.addf %get3A_189, %add3A_269 : vector<16xf32>
      %gt3A_271 = arith.cmpf ogt, %add3A_270, %select_n3A : vector<16xf32>
      %select_n3A_272 = arith.select %gt3A_271, %add3A_270, %select_n3A : vector<16xi1>, vector<16xf32>
      %select_n3A_273 = arith.select %gt3A_271, %get3A_189, %select_n3A_263 : vector<16xi1>, vector<16xf32>
      %broadcast_in_dim3A_274 = arith.constant 2 : i32
      %broadcast_in_dim3A_275 = vector.broadcast %broadcast_in_dim3A_274 : i32 to vector<16xi32>
      %select_n3A_276 = arith.select %gt3A_271, %broadcast_in_dim3A_275, %select_n3A_266 : vector<16xi1>, vector<16xi32>
      %slice3A_277 = vector.extract_strided_slice %get3A_4 {offsets = [3], sizes = [1], strides = [1]} : vector<16xf32> to vector<1xf32>
      %squeeze3A_278 = vector.extract %slice3A_277[0] : f32 from vector<1xf32>
      %add3A_279 = vector.broadcast %squeeze3A_278 : f32 to vector<16xf32>
      %add3A_280 = arith.addf %get3A_194, %add3A_279 : vector<16xf32>
      %gt3A_281 = arith.cmpf ogt, %add3A_280, %select_n3A_272 : vector<16xf32>
      %select_n3A_282 = arith.select %gt3A_281, %add3A_280, %select_n3A_272 : vector<16xi1>, vector<16xf32>
      %select_n3A_283 = arith.select %gt3A_281, %get3A_194, %select_n3A_273 : vector<16xi1>, vector<16xf32>
      %broadcast_in_dim3A_284 = arith.constant 3 : i32
      %broadcast_in_dim3A_285 = vector.broadcast %broadcast_in_dim3A_284 : i32 to vector<16xi32>
      %select_n3A_286 = arith.select %gt3A_281, %broadcast_in_dim3A_285, %select_n3A_276 : vector<16xi1>, vector<16xi32>
      %slice3A_287 = vector.extract_strided_slice %get3A_4 {offsets = [4], sizes = [1], strides = [1]} : vector<16xf32> to vector<1xf32>
      %squeeze3A_288 = vector.extract %slice3A_287[0] : f32 from vector<1xf32>
      %add3A_289 = vector.broadcast %squeeze3A_288 : f32 to vector<16xf32>
      %add3A_290 = arith.addf %get3A_199, %add3A_289 : vector<16xf32>
      %gt3A_291 = arith.cmpf ogt, %add3A_290, %select_n3A_282 : vector<16xf32>
      %select_n3A_292 = arith.select %gt3A_291, %add3A_290, %select_n3A_282 : vector<16xi1>, vector<16xf32>
      %select_n3A_293 = arith.select %gt3A_291, %get3A_199, %select_n3A_283 : vector<16xi1>, vector<16xf32>
      %broadcast_in_dim3A_294 = arith.constant 4 : i32
      %broadcast_in_dim3A_295 = vector.broadcast %broadcast_in_dim3A_294 : i32 to vector<16xi32>
      %select_n3A_296 = arith.select %gt3A_291, %broadcast_in_dim3A_295, %select_n3A_286 : vector<16xi1>, vector<16xi32>
      %slice3A_297 = vector.extract_strided_slice %get3A_4 {offsets = [5], sizes = [1], strides = [1]} : vector<16xf32> to vector<1xf32>
      %squeeze3A_298 = vector.extract %slice3A_297[0] : f32 from vector<1xf32>
      %add3A_299 = vector.broadcast %squeeze3A_298 : f32 to vector<16xf32>
      %add3A_300 = arith.addf %get3A_204, %add3A_299 : vector<16xf32>
      %gt3A_301 = arith.cmpf ogt, %add3A_300, %select_n3A_292 : vector<16xf32>
      %select_n3A_302 = arith.select %gt3A_301, %add3A_300, %select_n3A_292 : vector<16xi1>, vector<16xf32>
      %select_n3A_303 = arith.select %gt3A_301, %get3A_204, %select_n3A_293 : vector<16xi1>, vector<16xf32>
      %broadcast_in_dim3A_304 = arith.constant 5 : i32
      %broadcast_in_dim3A_305 = vector.broadcast %broadcast_in_dim3A_304 : i32 to vector<16xi32>
      %select_n3A_306 = arith.select %gt3A_301, %broadcast_in_dim3A_305, %select_n3A_296 : vector<16xi1>, vector<16xi32>
      %slice3A_307 = vector.extract_strided_slice %get3A_4 {offsets = [6], sizes = [1], strides = [1]} : vector<16xf32> to vector<1xf32>
      %squeeze3A_308 = vector.extract %slice3A_307[0] : f32 from vector<1xf32>
      %add3A_309 = vector.broadcast %squeeze3A_308 : f32 to vector<16xf32>
      %add3A_310 = arith.addf %get3A_209, %add3A_309 : vector<16xf32>
      %gt3A_311 = arith.cmpf ogt, %add3A_310, %select_n3A_302 : vector<16xf32>
      %select_n3A_312 = arith.select %gt3A_311, %add3A_310, %select_n3A_302 : vector<16xi1>, vector<16xf32>
      %select_n3A_313 = arith.select %gt3A_311, %get3A_209, %select_n3A_303 : vector<16xi1>, vector<16xf32>
      %broadcast_in_dim3A_314 = arith.constant 6 : i32
      %broadcast_in_dim3A_315 = vector.broadcast %broadcast_in_dim3A_314 : i32 to vector<16xi32>
      %select_n3A_316 = arith.select %gt3A_311, %broadcast_in_dim3A_315, %select_n3A_306 : vector<16xi1>, vector<16xi32>
      %slice3A_317 = vector.extract_strided_slice %get3A_4 {offsets = [7], sizes = [1], strides = [1]} : vector<16xf32> to vector<1xf32>
      %squeeze3A_318 = vector.extract %slice3A_317[0] : f32 from vector<1xf32>
      %add3A_319 = vector.broadcast %squeeze3A_318 : f32 to vector<16xf32>
      %add3A_320 = arith.addf %get3A_214, %add3A_319 : vector<16xf32>
      %gt3A_321 = arith.cmpf ogt, %add3A_320, %select_n3A_312 : vector<16xf32>
      %select_n3A_322 = arith.select %gt3A_321, %add3A_320, %select_n3A_312 : vector<16xi1>, vector<16xf32>
      %select_n3A_323 = arith.select %gt3A_321, %get3A_214, %select_n3A_313 : vector<16xi1>, vector<16xf32>
      %broadcast_in_dim3A_324 = arith.constant 7 : i32
      %broadcast_in_dim3A_325 = vector.broadcast %broadcast_in_dim3A_324 : i32 to vector<16xi32>
      %select_n3A_326 = arith.select %gt3A_321, %broadcast_in_dim3A_325, %select_n3A_316 : vector<16xi1>, vector<16xi32>
      %slice3A_327 = vector.extract_strided_slice %get3A_4 {offsets = [8], sizes = [1], strides = [1]} : vector<16xf32> to vector<1xf32>
      %squeeze3A_328 = vector.extract %slice3A_327[0] : f32 from vector<1xf32>
      %add3A_329 = vector.broadcast %squeeze3A_328 : f32 to vector<16xf32>
      %add3A_330 = arith.addf %get3A_219, %add3A_329 : vector<16xf32>
      %gt3A_331 = arith.cmpf ogt, %add3A_330, %select_n3A_322 : vector<16xf32>
      %select_n3A_332 = arith.select %gt3A_331, %add3A_330, %select_n3A_322 : vector<16xi1>, vector<16xf32>
      %select_n3A_333 = arith.select %gt3A_331, %get3A_219, %select_n3A_323 : vector<16xi1>, vector<16xf32>
      %broadcast_in_dim3A_334 = arith.constant 8 : i32
      %broadcast_in_dim3A_335 = vector.broadcast %broadcast_in_dim3A_334 : i32 to vector<16xi32>
      %select_n3A_336 = arith.select %gt3A_331, %broadcast_in_dim3A_335, %select_n3A_326 : vector<16xi1>, vector<16xi32>
      %slice3A_337 = vector.extract_strided_slice %get3A_4 {offsets = [9], sizes = [1], strides = [1]} : vector<16xf32> to vector<1xf32>
      %squeeze3A_338 = vector.extract %slice3A_337[0] : f32 from vector<1xf32>
      %add3A_339 = vector.broadcast %squeeze3A_338 : f32 to vector<16xf32>
      %add3A_340 = arith.addf %get3A_224, %add3A_339 : vector<16xf32>
      %gt3A_341 = arith.cmpf ogt, %add3A_340, %select_n3A_332 : vector<16xf32>
      %select_n3A_342 = arith.select %gt3A_341, %add3A_340, %select_n3A_332 : vector<16xi1>, vector<16xf32>
      %select_n3A_343 = arith.select %gt3A_341, %get3A_224, %select_n3A_333 : vector<16xi1>, vector<16xf32>
      %broadcast_in_dim3A_344 = arith.constant 9 : i32
      %broadcast_in_dim3A_345 = vector.broadcast %broadcast_in_dim3A_344 : i32 to vector<16xi32>
      %select_n3A_346 = arith.select %gt3A_341, %broadcast_in_dim3A_345, %select_n3A_336 : vector<16xi1>, vector<16xi32>
      %slice3A_347 = vector.extract_strided_slice %get3A_4 {offsets = [10], sizes = [1], strides = [1]} : vector<16xf32> to vector<1xf32>
      %squeeze3A_348 = vector.extract %slice3A_347[0] : f32 from vector<1xf32>
      %add3A_349 = vector.broadcast %squeeze3A_348 : f32 to vector<16xf32>
      %add3A_350 = arith.addf %get3A_229, %add3A_349 : vector<16xf32>
      %gt3A_351 = arith.cmpf ogt, %add3A_350, %select_n3A_342 : vector<16xf32>
      %select_n3A_352 = arith.select %gt3A_351, %add3A_350, %select_n3A_342 : vector<16xi1>, vector<16xf32>
      %select_n3A_353 = arith.select %gt3A_351, %get3A_229, %select_n3A_343 : vector<16xi1>, vector<16xf32>
      %broadcast_in_dim3A_354 = arith.constant 10 : i32
      %broadcast_in_dim3A_355 = vector.broadcast %broadcast_in_dim3A_354 : i32 to vector<16xi32>
      %select_n3A_356 = arith.select %gt3A_351, %broadcast_in_dim3A_355, %select_n3A_346 : vector<16xi1>, vector<16xi32>
      %slice3A_357 = vector.extract_strided_slice %get3A_4 {offsets = [11], sizes = [1], strides = [1]} : vector<16xf32> to vector<1xf32>
      %squeeze3A_358 = vector.extract %slice3A_357[0] : f32 from vector<1xf32>
      %add3A_359 = vector.broadcast %squeeze3A_358 : f32 to vector<16xf32>
      %add3A_360 = arith.addf %get3A_234, %add3A_359 : vector<16xf32>
      %gt3A_361 = arith.cmpf ogt, %add3A_360, %select_n3A_352 : vector<16xf32>
      %select_n3A_362 = arith.select %gt3A_361, %add3A_360, %select_n3A_352 : vector<16xi1>, vector<16xf32>
      %select_n3A_363 = arith.select %gt3A_361, %get3A_234, %select_n3A_353 : vector<16xi1>, vector<16xf32>
      %broadcast_in_dim3A_364 = arith.constant 11 : i32
      %broadcast_in_dim3A_365 = vector.broadcast %broadcast_in_dim3A_364 : i32 to vector<16xi32>
      %select_n3A_366 = arith.select %gt3A_361, %broadcast_in_dim3A_365, %select_n3A_356 : vector<16xi1>, vector<16xi32>
      %slice3A_367 = vector.extract_strided_slice %get3A_4 {offsets = [12], sizes = [1], strides = [1]} : vector<16xf32> to vector<1xf32>
      %squeeze3A_368 = vector.extract %slice3A_367[0] : f32 from vector<1xf32>
      %add3A_369 = vector.broadcast %squeeze3A_368 : f32 to vector<16xf32>
      %add3A_370 = arith.addf %get3A_239, %add3A_369 : vector<16xf32>
      %gt3A_371 = arith.cmpf ogt, %add3A_370, %select_n3A_362 : vector<16xf32>
      %select_n3A_372 = arith.select %gt3A_371, %add3A_370, %select_n3A_362 : vector<16xi1>, vector<16xf32>
      %select_n3A_373 = arith.select %gt3A_371, %get3A_239, %select_n3A_363 : vector<16xi1>, vector<16xf32>
      %broadcast_in_dim3A_374 = arith.constant 12 : i32
      %broadcast_in_dim3A_375 = vector.broadcast %broadcast_in_dim3A_374 : i32 to vector<16xi32>
      %select_n3A_376 = arith.select %gt3A_371, %broadcast_in_dim3A_375, %select_n3A_366 : vector<16xi1>, vector<16xi32>
      %slice3A_377 = vector.extract_strided_slice %get3A_4 {offsets = [13], sizes = [1], strides = [1]} : vector<16xf32> to vector<1xf32>
      %squeeze3A_378 = vector.extract %slice3A_377[0] : f32 from vector<1xf32>
      %add3A_379 = vector.broadcast %squeeze3A_378 : f32 to vector<16xf32>
      %add3A_380 = arith.addf %get3A_244, %add3A_379 : vector<16xf32>
      %gt3A_381 = arith.cmpf ogt, %add3A_380, %select_n3A_372 : vector<16xf32>
      %select_n3A_382 = arith.select %gt3A_381, %add3A_380, %select_n3A_372 : vector<16xi1>, vector<16xf32>
      %select_n3A_383 = arith.select %gt3A_381, %get3A_244, %select_n3A_373 : vector<16xi1>, vector<16xf32>
      %broadcast_in_dim3A_384 = arith.constant 13 : i32
      %broadcast_in_dim3A_385 = vector.broadcast %broadcast_in_dim3A_384 : i32 to vector<16xi32>
      %select_n3A_386 = arith.select %gt3A_381, %broadcast_in_dim3A_385, %select_n3A_376 : vector<16xi1>, vector<16xi32>
      %slice3A_387 = vector.extract_strided_slice %get3A_4 {offsets = [14], sizes = [1], strides = [1]} : vector<16xf32> to vector<1xf32>
      %squeeze3A_388 = vector.extract %slice3A_387[0] : f32 from vector<1xf32>
      %add3A_389 = vector.broadcast %squeeze3A_388 : f32 to vector<16xf32>
      %add3A_390 = arith.addf %get3A_249, %add3A_389 : vector<16xf32>
      %gt3A_391 = arith.cmpf ogt, %add3A_390, %select_n3A_382 : vector<16xf32>
      %select_n3A_392 = arith.select %gt3A_391, %add3A_390, %select_n3A_382 : vector<16xi1>, vector<16xf32>
      %select_n3A_393 = arith.select %gt3A_391, %get3A_249, %select_n3A_383 : vector<16xi1>, vector<16xf32>
      %broadcast_in_dim3A_394 = arith.constant 14 : i32
      %broadcast_in_dim3A_395 = vector.broadcast %broadcast_in_dim3A_394 : i32 to vector<16xi32>
      %select_n3A_396 = arith.select %gt3A_391, %broadcast_in_dim3A_395, %select_n3A_386 : vector<16xi1>, vector<16xi32>
      %slice3A_397 = vector.extract_strided_slice %get3A_4 {offsets = [15], sizes = [1], strides = [1]} : vector<16xf32> to vector<1xf32>
      %squeeze3A_398 = vector.extract %slice3A_397[0] : f32 from vector<1xf32>
      %add3A_399 = vector.broadcast %squeeze3A_398 : f32 to vector<16xf32>
      %add3A_400 = arith.addf %get3A_254, %add3A_399 : vector<16xf32>
      %gt3A_401 = arith.cmpf ogt, %add3A_400, %select_n3A_392 : vector<16xf32>
      %select_n3A_402 = arith.select %gt3A_401, %add3A_400, %select_n3A_392 : vector<16xi1>, vector<16xf32>
      %select_n3A_403 = arith.select %gt3A_401, %get3A_254, %select_n3A_393 : vector<16xi1>, vector<16xf32>
      %broadcast_in_dim3A_404 = arith.constant 15 : i32
      %broadcast_in_dim3A_405 = vector.broadcast %broadcast_in_dim3A_404 : i32 to vector<16xi32>
      %select_n3A_406 = arith.select %gt3A_401, %broadcast_in_dim3A_405, %select_n3A_396 : vector<16xi1>, vector<16xi32>
      %broadcast_in_dim3A_407 = arith.constant 0xFF800000 : f32
      %broadcast_in_dim3A_408 = vector.broadcast %broadcast_in_dim3A_407 : f32 to vector<16xf32>
      %broadcast_in_dim3A_409 = arith.constant 0.000000e+00 : f32
      %broadcast_in_dim3A_410 = vector.broadcast %broadcast_in_dim3A_409 : f32 to vector<16xf32>
      %broadcast_in_dim3A_411 = arith.constant 0 : i32
      %broadcast_in_dim3A_412 = vector.broadcast %broadcast_in_dim3A_411 : i32 to vector<16xi32>
      %slice3A_413 = vector.extract_strided_slice %get3A_4 {offsets = [0], sizes = [1], strides = [1]} : vector<16xf32> to vector<1xf32>
      %squeeze3A_414 = vector.extract %slice3A_413[0] : f32 from vector<1xf32>
      %add3A_415 = vector.broadcast %squeeze3A_414 : f32 to vector<16xf32>
      %add3A_416 = arith.addf %get3A_179, %add3A_415 : vector<16xf32>
      %ne3A = arith.constant 0 : i32
      %ne3A_417 = vector.broadcast %ne3A : i32 to vector<16xi32>
      %ne3A_418 = arith.cmpi ne, %select_n3A_406, %ne3A_417 : vector<16xi32>
      %gt3A_419 = arith.cmpf ogt, %add3A_416, %broadcast_in_dim3A_408 : vector<16xf32>
      %and3A = arith.andi %ne3A_418, %gt3A_419 : vector<16xi1>
      %select_n3A_420 = arith.select %and3A, %add3A_416, %broadcast_in_dim3A_408 : vector<16xi1>, vector<16xf32>
      %select_n3A_421 = arith.select %and3A, %get3A_179, %broadcast_in_dim3A_410 : vector<16xi1>, vector<16xf32>
      %broadcast_in_dim3A_422 = arith.constant 0 : i32
      %broadcast_in_dim3A_423 = vector.broadcast %broadcast_in_dim3A_422 : i32 to vector<16xi32>
      %select_n3A_424 = arith.select %and3A, %broadcast_in_dim3A_423, %broadcast_in_dim3A_412 : vector<16xi1>, vector<16xi32>
      %slice3A_425 = vector.extract_strided_slice %get3A_4 {offsets = [1], sizes = [1], strides = [1]} : vector<16xf32> to vector<1xf32>
      %squeeze3A_426 = vector.extract %slice3A_425[0] : f32 from vector<1xf32>
      %add3A_427 = vector.broadcast %squeeze3A_426 : f32 to vector<16xf32>
      %add3A_428 = arith.addf %get3A_184, %add3A_427 : vector<16xf32>
      %ne3A_429 = arith.constant 1 : i32
      %ne3A_430 = vector.broadcast %ne3A_429 : i32 to vector<16xi32>
      %ne3A_431 = arith.cmpi ne, %select_n3A_406, %ne3A_430 : vector<16xi32>
      %gt3A_432 = arith.cmpf ogt, %add3A_428, %select_n3A_420 : vector<16xf32>
      %and3A_433 = arith.andi %ne3A_431, %gt3A_432 : vector<16xi1>
      %select_n3A_434 = arith.select %and3A_433, %add3A_428, %select_n3A_420 : vector<16xi1>, vector<16xf32>
      %select_n3A_435 = arith.select %and3A_433, %get3A_184, %select_n3A_421 : vector<16xi1>, vector<16xf32>
      %broadcast_in_dim3A_436 = arith.constant 1 : i32
      %broadcast_in_dim3A_437 = vector.broadcast %broadcast_in_dim3A_436 : i32 to vector<16xi32>
      %select_n3A_438 = arith.select %and3A_433, %broadcast_in_dim3A_437, %select_n3A_424 : vector<16xi1>, vector<16xi32>
      %slice3A_439 = vector.extract_strided_slice %get3A_4 {offsets = [2], sizes = [1], strides = [1]} : vector<16xf32> to vector<1xf32>
      %squeeze3A_440 = vector.extract %slice3A_439[0] : f32 from vector<1xf32>
      %add3A_441 = vector.broadcast %squeeze3A_440 : f32 to vector<16xf32>
      %add3A_442 = arith.addf %get3A_189, %add3A_441 : vector<16xf32>
      %ne3A_443 = arith.constant 2 : i32
      %ne3A_444 = vector.broadcast %ne3A_443 : i32 to vector<16xi32>
      %ne3A_445 = arith.cmpi ne, %select_n3A_406, %ne3A_444 : vector<16xi32>
      %gt3A_446 = arith.cmpf ogt, %add3A_442, %select_n3A_434 : vector<16xf32>
      %and3A_447 = arith.andi %ne3A_445, %gt3A_446 : vector<16xi1>
      %select_n3A_448 = arith.select %and3A_447, %add3A_442, %select_n3A_434 : vector<16xi1>, vector<16xf32>
      %select_n3A_449 = arith.select %and3A_447, %get3A_189, %select_n3A_435 : vector<16xi1>, vector<16xf32>
      %broadcast_in_dim3A_450 = arith.constant 2 : i32
      %broadcast_in_dim3A_451 = vector.broadcast %broadcast_in_dim3A_450 : i32 to vector<16xi32>
      %select_n3A_452 = arith.select %and3A_447, %broadcast_in_dim3A_451, %select_n3A_438 : vector<16xi1>, vector<16xi32>
      %slice3A_453 = vector.extract_strided_slice %get3A_4 {offsets = [3], sizes = [1], strides = [1]} : vector<16xf32> to vector<1xf32>
      %squeeze3A_454 = vector.extract %slice3A_453[0] : f32 from vector<1xf32>
      %add3A_455 = vector.broadcast %squeeze3A_454 : f32 to vector<16xf32>
      %add3A_456 = arith.addf %get3A_194, %add3A_455 : vector<16xf32>
      %ne3A_457 = arith.constant 3 : i32
      %ne3A_458 = vector.broadcast %ne3A_457 : i32 to vector<16xi32>
      %ne3A_459 = arith.cmpi ne, %select_n3A_406, %ne3A_458 : vector<16xi32>
      %gt3A_460 = arith.cmpf ogt, %add3A_456, %select_n3A_448 : vector<16xf32>
      %and3A_461 = arith.andi %ne3A_459, %gt3A_460 : vector<16xi1>
      %select_n3A_462 = arith.select %and3A_461, %add3A_456, %select_n3A_448 : vector<16xi1>, vector<16xf32>
      %select_n3A_463 = arith.select %and3A_461, %get3A_194, %select_n3A_449 : vector<16xi1>, vector<16xf32>
      %broadcast_in_dim3A_464 = arith.constant 3 : i32
      %broadcast_in_dim3A_465 = vector.broadcast %broadcast_in_dim3A_464 : i32 to vector<16xi32>
      %select_n3A_466 = arith.select %and3A_461, %broadcast_in_dim3A_465, %select_n3A_452 : vector<16xi1>, vector<16xi32>
      %slice3A_467 = vector.extract_strided_slice %get3A_4 {offsets = [4], sizes = [1], strides = [1]} : vector<16xf32> to vector<1xf32>
      %squeeze3A_468 = vector.extract %slice3A_467[0] : f32 from vector<1xf32>
      %add3A_469 = vector.broadcast %squeeze3A_468 : f32 to vector<16xf32>
      %add3A_470 = arith.addf %get3A_199, %add3A_469 : vector<16xf32>
      %ne3A_471 = arith.constant 4 : i32
      %ne3A_472 = vector.broadcast %ne3A_471 : i32 to vector<16xi32>
      %ne3A_473 = arith.cmpi ne, %select_n3A_406, %ne3A_472 : vector<16xi32>
      %gt3A_474 = arith.cmpf ogt, %add3A_470, %select_n3A_462 : vector<16xf32>
      %and3A_475 = arith.andi %ne3A_473, %gt3A_474 : vector<16xi1>
      %select_n3A_476 = arith.select %and3A_475, %add3A_470, %select_n3A_462 : vector<16xi1>, vector<16xf32>
      %select_n3A_477 = arith.select %and3A_475, %get3A_199, %select_n3A_463 : vector<16xi1>, vector<16xf32>
      %broadcast_in_dim3A_478 = arith.constant 4 : i32
      %broadcast_in_dim3A_479 = vector.broadcast %broadcast_in_dim3A_478 : i32 to vector<16xi32>
      %select_n3A_480 = arith.select %and3A_475, %broadcast_in_dim3A_479, %select_n3A_466 : vector<16xi1>, vector<16xi32>
      %slice3A_481 = vector.extract_strided_slice %get3A_4 {offsets = [5], sizes = [1], strides = [1]} : vector<16xf32> to vector<1xf32>
      %squeeze3A_482 = vector.extract %slice3A_481[0] : f32 from vector<1xf32>
      %add3A_483 = vector.broadcast %squeeze3A_482 : f32 to vector<16xf32>
      %add3A_484 = arith.addf %get3A_204, %add3A_483 : vector<16xf32>
      %ne3A_485 = arith.constant 5 : i32
      %ne3A_486 = vector.broadcast %ne3A_485 : i32 to vector<16xi32>
      %ne3A_487 = arith.cmpi ne, %select_n3A_406, %ne3A_486 : vector<16xi32>
      %gt3A_488 = arith.cmpf ogt, %add3A_484, %select_n3A_476 : vector<16xf32>
      %and3A_489 = arith.andi %ne3A_487, %gt3A_488 : vector<16xi1>
      %select_n3A_490 = arith.select %and3A_489, %add3A_484, %select_n3A_476 : vector<16xi1>, vector<16xf32>
      %select_n3A_491 = arith.select %and3A_489, %get3A_204, %select_n3A_477 : vector<16xi1>, vector<16xf32>
      %broadcast_in_dim3A_492 = arith.constant 5 : i32
      %broadcast_in_dim3A_493 = vector.broadcast %broadcast_in_dim3A_492 : i32 to vector<16xi32>
      %select_n3A_494 = arith.select %and3A_489, %broadcast_in_dim3A_493, %select_n3A_480 : vector<16xi1>, vector<16xi32>
      %slice3A_495 = vector.extract_strided_slice %get3A_4 {offsets = [6], sizes = [1], strides = [1]} : vector<16xf32> to vector<1xf32>
      %squeeze3A_496 = vector.extract %slice3A_495[0] : f32 from vector<1xf32>
      %add3A_497 = vector.broadcast %squeeze3A_496 : f32 to vector<16xf32>
      %add3A_498 = arith.addf %get3A_209, %add3A_497 : vector<16xf32>
      %ne3A_499 = arith.constant 6 : i32
      %ne3A_500 = vector.broadcast %ne3A_499 : i32 to vector<16xi32>
      %ne3A_501 = arith.cmpi ne, %select_n3A_406, %ne3A_500 : vector<16xi32>
      %gt3A_502 = arith.cmpf ogt, %add3A_498, %select_n3A_490 : vector<16xf32>
      %and3A_503 = arith.andi %ne3A_501, %gt3A_502 : vector<16xi1>
      %select_n3A_504 = arith.select %and3A_503, %add3A_498, %select_n3A_490 : vector<16xi1>, vector<16xf32>
      %select_n3A_505 = arith.select %and3A_503, %get3A_209, %select_n3A_491 : vector<16xi1>, vector<16xf32>
      %broadcast_in_dim3A_506 = arith.constant 6 : i32
      %broadcast_in_dim3A_507 = vector.broadcast %broadcast_in_dim3A_506 : i32 to vector<16xi32>
      %select_n3A_508 = arith.select %and3A_503, %broadcast_in_dim3A_507, %select_n3A_494 : vector<16xi1>, vector<16xi32>
      %slice3A_509 = vector.extract_strided_slice %get3A_4 {offsets = [7], sizes = [1], strides = [1]} : vector<16xf32> to vector<1xf32>
      %squeeze3A_510 = vector.extract %slice3A_509[0] : f32 from vector<1xf32>
      %add3A_511 = vector.broadcast %squeeze3A_510 : f32 to vector<16xf32>
      %add3A_512 = arith.addf %get3A_214, %add3A_511 : vector<16xf32>
      %ne3A_513 = arith.constant 7 : i32
      %ne3A_514 = vector.broadcast %ne3A_513 : i32 to vector<16xi32>
      %ne3A_515 = arith.cmpi ne, %select_n3A_406, %ne3A_514 : vector<16xi32>
      %gt3A_516 = arith.cmpf ogt, %add3A_512, %select_n3A_504 : vector<16xf32>
      %and3A_517 = arith.andi %ne3A_515, %gt3A_516 : vector<16xi1>
      %select_n3A_518 = arith.select %and3A_517, %add3A_512, %select_n3A_504 : vector<16xi1>, vector<16xf32>
      %select_n3A_519 = arith.select %and3A_517, %get3A_214, %select_n3A_505 : vector<16xi1>, vector<16xf32>
      %broadcast_in_dim3A_520 = arith.constant 7 : i32
      %broadcast_in_dim3A_521 = vector.broadcast %broadcast_in_dim3A_520 : i32 to vector<16xi32>
      %select_n3A_522 = arith.select %and3A_517, %broadcast_in_dim3A_521, %select_n3A_508 : vector<16xi1>, vector<16xi32>
      %slice3A_523 = vector.extract_strided_slice %get3A_4 {offsets = [8], sizes = [1], strides = [1]} : vector<16xf32> to vector<1xf32>
      %squeeze3A_524 = vector.extract %slice3A_523[0] : f32 from vector<1xf32>
      %add3A_525 = vector.broadcast %squeeze3A_524 : f32 to vector<16xf32>
      %add3A_526 = arith.addf %get3A_219, %add3A_525 : vector<16xf32>
      %ne3A_527 = arith.constant 8 : i32
      %ne3A_528 = vector.broadcast %ne3A_527 : i32 to vector<16xi32>
      %ne3A_529 = arith.cmpi ne, %select_n3A_406, %ne3A_528 : vector<16xi32>
      %gt3A_530 = arith.cmpf ogt, %add3A_526, %select_n3A_518 : vector<16xf32>
      %and3A_531 = arith.andi %ne3A_529, %gt3A_530 : vector<16xi1>
      %select_n3A_532 = arith.select %and3A_531, %add3A_526, %select_n3A_518 : vector<16xi1>, vector<16xf32>
      %select_n3A_533 = arith.select %and3A_531, %get3A_219, %select_n3A_519 : vector<16xi1>, vector<16xf32>
      %broadcast_in_dim3A_534 = arith.constant 8 : i32
      %broadcast_in_dim3A_535 = vector.broadcast %broadcast_in_dim3A_534 : i32 to vector<16xi32>
      %select_n3A_536 = arith.select %and3A_531, %broadcast_in_dim3A_535, %select_n3A_522 : vector<16xi1>, vector<16xi32>
      %slice3A_537 = vector.extract_strided_slice %get3A_4 {offsets = [9], sizes = [1], strides = [1]} : vector<16xf32> to vector<1xf32>
      %squeeze3A_538 = vector.extract %slice3A_537[0] : f32 from vector<1xf32>
      %add3A_539 = vector.broadcast %squeeze3A_538 : f32 to vector<16xf32>
      %add3A_540 = arith.addf %get3A_224, %add3A_539 : vector<16xf32>
      %ne3A_541 = arith.constant 9 : i32
      %ne3A_542 = vector.broadcast %ne3A_541 : i32 to vector<16xi32>
      %ne3A_543 = arith.cmpi ne, %select_n3A_406, %ne3A_542 : vector<16xi32>
      %gt3A_544 = arith.cmpf ogt, %add3A_540, %select_n3A_532 : vector<16xf32>
      %and3A_545 = arith.andi %ne3A_543, %gt3A_544 : vector<16xi1>
      %select_n3A_546 = arith.select %and3A_545, %add3A_540, %select_n3A_532 : vector<16xi1>, vector<16xf32>
      %select_n3A_547 = arith.select %and3A_545, %get3A_224, %select_n3A_533 : vector<16xi1>, vector<16xf32>
      %broadcast_in_dim3A_548 = arith.constant 9 : i32
      %broadcast_in_dim3A_549 = vector.broadcast %broadcast_in_dim3A_548 : i32 to vector<16xi32>
      %select_n3A_550 = arith.select %and3A_545, %broadcast_in_dim3A_549, %select_n3A_536 : vector<16xi1>, vector<16xi32>
      %slice3A_551 = vector.extract_strided_slice %get3A_4 {offsets = [10], sizes = [1], strides = [1]} : vector<16xf32> to vector<1xf32>
      %squeeze3A_552 = vector.extract %slice3A_551[0] : f32 from vector<1xf32>
      %add3A_553 = vector.broadcast %squeeze3A_552 : f32 to vector<16xf32>
      %add3A_554 = arith.addf %get3A_229, %add3A_553 : vector<16xf32>
      %ne3A_555 = arith.constant 10 : i32
      %ne3A_556 = vector.broadcast %ne3A_555 : i32 to vector<16xi32>
      %ne3A_557 = arith.cmpi ne, %select_n3A_406, %ne3A_556 : vector<16xi32>
      %gt3A_558 = arith.cmpf ogt, %add3A_554, %select_n3A_546 : vector<16xf32>
      %and3A_559 = arith.andi %ne3A_557, %gt3A_558 : vector<16xi1>
      %select_n3A_560 = arith.select %and3A_559, %add3A_554, %select_n3A_546 : vector<16xi1>, vector<16xf32>
      %select_n3A_561 = arith.select %and3A_559, %get3A_229, %select_n3A_547 : vector<16xi1>, vector<16xf32>
      %broadcast_in_dim3A_562 = arith.constant 10 : i32
      %broadcast_in_dim3A_563 = vector.broadcast %broadcast_in_dim3A_562 : i32 to vector<16xi32>
      %select_n3A_564 = arith.select %and3A_559, %broadcast_in_dim3A_563, %select_n3A_550 : vector<16xi1>, vector<16xi32>
      %slice3A_565 = vector.extract_strided_slice %get3A_4 {offsets = [11], sizes = [1], strides = [1]} : vector<16xf32> to vector<1xf32>
      %squeeze3A_566 = vector.extract %slice3A_565[0] : f32 from vector<1xf32>
      %add3A_567 = vector.broadcast %squeeze3A_566 : f32 to vector<16xf32>
      %add3A_568 = arith.addf %get3A_234, %add3A_567 : vector<16xf32>
      %ne3A_569 = arith.constant 11 : i32
      %ne3A_570 = vector.broadcast %ne3A_569 : i32 to vector<16xi32>
      %ne3A_571 = arith.cmpi ne, %select_n3A_406, %ne3A_570 : vector<16xi32>
      %gt3A_572 = arith.cmpf ogt, %add3A_568, %select_n3A_560 : vector<16xf32>
      %and3A_573 = arith.andi %ne3A_571, %gt3A_572 : vector<16xi1>
      %select_n3A_574 = arith.select %and3A_573, %add3A_568, %select_n3A_560 : vector<16xi1>, vector<16xf32>
      %select_n3A_575 = arith.select %and3A_573, %get3A_234, %select_n3A_561 : vector<16xi1>, vector<16xf32>
      %broadcast_in_dim3A_576 = arith.constant 11 : i32
      %broadcast_in_dim3A_577 = vector.broadcast %broadcast_in_dim3A_576 : i32 to vector<16xi32>
      %select_n3A_578 = arith.select %and3A_573, %broadcast_in_dim3A_577, %select_n3A_564 : vector<16xi1>, vector<16xi32>
      %slice3A_579 = vector.extract_strided_slice %get3A_4 {offsets = [12], sizes = [1], strides = [1]} : vector<16xf32> to vector<1xf32>
      %squeeze3A_580 = vector.extract %slice3A_579[0] : f32 from vector<1xf32>
      %add3A_581 = vector.broadcast %squeeze3A_580 : f32 to vector<16xf32>
      %add3A_582 = arith.addf %get3A_239, %add3A_581 : vector<16xf32>
      %ne3A_583 = arith.constant 12 : i32
      %ne3A_584 = vector.broadcast %ne3A_583 : i32 to vector<16xi32>
      %ne3A_585 = arith.cmpi ne, %select_n3A_406, %ne3A_584 : vector<16xi32>
      %gt3A_586 = arith.cmpf ogt, %add3A_582, %select_n3A_574 : vector<16xf32>
      %and3A_587 = arith.andi %ne3A_585, %gt3A_586 : vector<16xi1>
      %select_n3A_588 = arith.select %and3A_587, %add3A_582, %select_n3A_574 : vector<16xi1>, vector<16xf32>
      %select_n3A_589 = arith.select %and3A_587, %get3A_239, %select_n3A_575 : vector<16xi1>, vector<16xf32>
      %broadcast_in_dim3A_590 = arith.constant 12 : i32
      %broadcast_in_dim3A_591 = vector.broadcast %broadcast_in_dim3A_590 : i32 to vector<16xi32>
      %select_n3A_592 = arith.select %and3A_587, %broadcast_in_dim3A_591, %select_n3A_578 : vector<16xi1>, vector<16xi32>
      %slice3A_593 = vector.extract_strided_slice %get3A_4 {offsets = [13], sizes = [1], strides = [1]} : vector<16xf32> to vector<1xf32>
      %squeeze3A_594 = vector.extract %slice3A_593[0] : f32 from vector<1xf32>
      %add3A_595 = vector.broadcast %squeeze3A_594 : f32 to vector<16xf32>
      %add3A_596 = arith.addf %get3A_244, %add3A_595 : vector<16xf32>
      %ne3A_597 = arith.constant 13 : i32
      %ne3A_598 = vector.broadcast %ne3A_597 : i32 to vector<16xi32>
      %ne3A_599 = arith.cmpi ne, %select_n3A_406, %ne3A_598 : vector<16xi32>
      %gt3A_600 = arith.cmpf ogt, %add3A_596, %select_n3A_588 : vector<16xf32>
      %and3A_601 = arith.andi %ne3A_599, %gt3A_600 : vector<16xi1>
      %select_n3A_602 = arith.select %and3A_601, %add3A_596, %select_n3A_588 : vector<16xi1>, vector<16xf32>
      %select_n3A_603 = arith.select %and3A_601, %get3A_244, %select_n3A_589 : vector<16xi1>, vector<16xf32>
      %broadcast_in_dim3A_604 = arith.constant 13 : i32
      %broadcast_in_dim3A_605 = vector.broadcast %broadcast_in_dim3A_604 : i32 to vector<16xi32>
      %select_n3A_606 = arith.select %and3A_601, %broadcast_in_dim3A_605, %select_n3A_592 : vector<16xi1>, vector<16xi32>
      %slice3A_607 = vector.extract_strided_slice %get3A_4 {offsets = [14], sizes = [1], strides = [1]} : vector<16xf32> to vector<1xf32>
      %squeeze3A_608 = vector.extract %slice3A_607[0] : f32 from vector<1xf32>
      %add3A_609 = vector.broadcast %squeeze3A_608 : f32 to vector<16xf32>
      %add3A_610 = arith.addf %get3A_249, %add3A_609 : vector<16xf32>
      %ne3A_611 = arith.constant 14 : i32
      %ne3A_612 = vector.broadcast %ne3A_611 : i32 to vector<16xi32>
      %ne3A_613 = arith.cmpi ne, %select_n3A_406, %ne3A_612 : vector<16xi32>
      %gt3A_614 = arith.cmpf ogt, %add3A_610, %select_n3A_602 : vector<16xf32>
      %and3A_615 = arith.andi %ne3A_613, %gt3A_614 : vector<16xi1>
      %select_n3A_616 = arith.select %and3A_615, %add3A_610, %select_n3A_602 : vector<16xi1>, vector<16xf32>
      %select_n3A_617 = arith.select %and3A_615, %get3A_249, %select_n3A_603 : vector<16xi1>, vector<16xf32>
      %broadcast_in_dim3A_618 = arith.constant 14 : i32
      %broadcast_in_dim3A_619 = vector.broadcast %broadcast_in_dim3A_618 : i32 to vector<16xi32>
      %select_n3A_620 = arith.select %and3A_615, %broadcast_in_dim3A_619, %select_n3A_606 : vector<16xi1>, vector<16xi32>
      %slice3A_621 = vector.extract_strided_slice %get3A_4 {offsets = [15], sizes = [1], strides = [1]} : vector<16xf32> to vector<1xf32>
      %squeeze3A_622 = vector.extract %slice3A_621[0] : f32 from vector<1xf32>
      %add3A_623 = vector.broadcast %squeeze3A_622 : f32 to vector<16xf32>
      %add3A_624 = arith.addf %get3A_254, %add3A_623 : vector<16xf32>
      %ne3A_625 = arith.constant 15 : i32
      %ne3A_626 = vector.broadcast %ne3A_625 : i32 to vector<16xi32>
      %ne3A_627 = arith.cmpi ne, %select_n3A_406, %ne3A_626 : vector<16xi32>
      %gt3A_628 = arith.cmpf ogt, %add3A_624, %select_n3A_616 : vector<16xf32>
      %and3A_629 = arith.andi %ne3A_627, %gt3A_628 : vector<16xi1>
      %select_n3A_630 = arith.select %and3A_629, %add3A_624, %select_n3A_616 : vector<16xi1>, vector<16xf32>
      %select_n3A_631 = arith.select %and3A_629, %get3A_254, %select_n3A_617 : vector<16xi1>, vector<16xf32>
      %broadcast_in_dim3A_632 = arith.constant 15 : i32
      %broadcast_in_dim3A_633 = vector.broadcast %broadcast_in_dim3A_632 : i32 to vector<16xi32>
      %select_n3A_634 = arith.select %and3A_629, %broadcast_in_dim3A_633, %select_n3A_620 : vector<16xi1>, vector<16xi32>
      %swap3A_635 = arith.index_cast %mul3A_174 : i32 to index
      %swap3A_636 = tpu.vector_load %arg9[%swap3A_635] {strides = array<i32>} : memref<512xf32, #tpu.memory_space<vmem>>, vector<16xf32>,
      %swap3A_637 = vector.shape_cast %swap3A_636 : vector<16xf32> to vector<16xf32>
      %swap3A_638 = vector.shape_cast %select_n3A_403 : vector<16xf32> to vector<16xf32>
      tpu.vector_store %arg9[%swap3A_635], %swap3A_638 {strides = array<i32>} : memref<512xf32, #tpu.memory_space<vmem>>, vector<16xf32>,
      %swap3A_639 = arith.index_cast %mul3A_174 : i32 to index
      %swap3A_640 = tpu.vector_load %arg10[%swap3A_639] {strides = array<i32>} : memref<512xf32, #tpu.memory_space<vmem>>, vector<16xf32>,
      %swap3A_641 = vector.shape_cast %swap3A_640 : vector<16xf32> to vector<16xf32>
      %swap3A_642 = vector.shape_cast %select_n3A_631 : vector<16xf32> to vector<16xf32>
      tpu.vector_store %arg10[%swap3A_639], %swap3A_642 {strides = array<i32>} : memref<512xf32, #tpu.memory_space<vmem>>, vector<16xf32>,
      %swap3A_643 = arith.index_cast %mul3A_174 : i32 to index
      %swap3A_644 = tpu.vector_load %arg11[%swap3A_643] {strides = array<i32>} : memref<512xi32, #tpu.memory_space<vmem>>, vector<16xi32>,
      %swap3A_645 = vector.shape_cast %swap3A_644 : vector<16xi32> to vector<16xi32>
      %swap3A_646 = vector.shape_cast %select_n3A_406 : vector<16xi32> to vector<16xi32>
      tpu.vector_store %arg11[%swap3A_643], %swap3A_646 {strides = array<i32>} : memref<512xi32, #tpu.memory_space<vmem>>, vector<16xi32>,
      %swap3A_647 = arith.index_cast %mul3A_174 : i32 to index
      %swap3A_648 = tpu.vector_load %arg12[%swap3A_647] {strides = array<i32>} : memref<512xi32, #tpu.memory_space<vmem>>, vector<16xi32>,
      %swap3A_649 = vector.shape_cast %swap3A_648 : vector<16xi32> to vector<16xi32>
      %swap3A_650 = vector.shape_cast %select_n3A_634 : vector<16xi32> to vector<16xi32>
      tpu.vector_store %arg12[%swap3A_647], %swap3A_650 {strides = array<i32>} : memref<512xi32, #tpu.memory_space<vmem>>, vector<16xi32>,
      %broadcast_in_dim3A_651 = arith.constant 1 : i32
      %broadcast_in_dim3A_652 = vector.broadcast %broadcast_in_dim3A_651 : i32 to vector<16xi32>
      %broadcast_in_dim3A_653 = arith.constant 0 : i32
      %broadcast_in_dim3A_654 = vector.broadcast %broadcast_in_dim3A_653 : i32 to vector<16xi32>
      %eq3A = arith.constant 0 : i32
      %eq3A_655 = vector.broadcast %eq3A : i32 to vector<16xi32>
      %eq3A_656 = arith.cmpi eq, %select_n3A_406, %eq3A_655 : vector<16xi32>
      %select_n3A_657 = arith.select %eq3A_656, %broadcast_in_dim3A_652, %broadcast_in_dim3A_654 : vector<16xi1>, vector<16xi32>
      %add3A_658 = arith.addi %scan3A_157, %select_n3A_657 : vector<16xi32>
      %eq3A_659 = arith.constant 0 : i32
      %eq3A_660 = vector.broadcast %eq3A_659 : i32 to vector<16xi32>
      %eq3A_661 = arith.cmpi eq, %select_n3A_634, %eq3A_660 : vector<16xi32>
      %select_n3A_662 = arith.select %eq3A_661, %broadcast_in_dim3A_652, %broadcast_in_dim3A_654 : vector<16xi1>, vector<16xi32>
      %add3A_663 = arith.addi %add3A_658, %select_n3A_662 : vector<16xi32>
      %eq3A_664 = arith.constant 1 : i32
      %eq3A_665 = vector.broadcast %eq3A_664 : i32 to vector<16xi32>
      %eq3A_666 = arith.cmpi eq, %select_n3A_406, %eq3A_665 : vector<16xi32>
      %select_n3A_667 = arith.select %eq3A_666, %broadcast_in_dim3A_652, %broadcast_in_dim3A_654 : vector<16xi1>, vector<16xi32>
      %add3A_668 = arith.addi %scan3A_158, %select_n3A_667 : vector<16xi32>
      %eq3A_669 = arith.constant 1 : i32
      %eq3A_670 = vector.broadcast %eq3A_669 : i32 to vector<16xi32>
      %eq3A_671 = arith.cmpi eq, %select_n3A_634, %eq3A_670 : vector<16xi32>
      %select_n3A_672 = arith.select %eq3A_671, %broadcast_in_dim3A_652, %broadcast_in_dim3A_654 : vector<16xi1>, vector<16xi32>
      %add3A_673 = arith.addi %add3A_668, %select_n3A_672 : vector<16xi32>
      %eq3A_674 = arith.constant 2 : i32
      %eq3A_675 = vector.broadcast %eq3A_674 : i32 to vector<16xi32>
      %eq3A_676 = arith.cmpi eq, %select_n3A_406, %eq3A_675 : vector<16xi32>
      %select_n3A_677 = arith.select %eq3A_676, %broadcast_in_dim3A_652, %broadcast_in_dim3A_654 : vector<16xi1>, vector<16xi32>
      %add3A_678 = arith.addi %scan3A_159, %select_n3A_677 : vector<16xi32>
      %eq3A_679 = arith.constant 2 : i32
      %eq3A_680 = vector.broadcast %eq3A_679 : i32 to vector<16xi32>
      %eq3A_681 = arith.cmpi eq, %select_n3A_634, %eq3A_680 : vector<16xi32>
      %select_n3A_682 = arith.select %eq3A_681, %broadcast_in_dim3A_652, %broadcast_in_dim3A_654 : vector<16xi1>, vector<16xi32>
      %add3A_683 = arith.addi %add3A_678, %select_n3A_682 : vector<16xi32>
      %eq3A_684 = arith.constant 3 : i32
      %eq3A_685 = vector.broadcast %eq3A_684 : i32 to vector<16xi32>
      %eq3A_686 = arith.cmpi eq, %select_n3A_406, %eq3A_685 : vector<16xi32>
      %select_n3A_687 = arith.select %eq3A_686, %broadcast_in_dim3A_652, %broadcast_in_dim3A_654 : vector<16xi1>, vector<16xi32>
      %add3A_688 = arith.addi %scan3A_160, %select_n3A_687 : vector<16xi32>
      %eq3A_689 = arith.constant 3 : i32
      %eq3A_690 = vector.broadcast %eq3A_689 : i32 to vector<16xi32>
      %eq3A_691 = arith.cmpi eq, %select_n3A_634, %eq3A_690 : vector<16xi32>
      %select_n3A_692 = arith.select %eq3A_691, %broadcast_in_dim3A_652, %broadcast_in_dim3A_654 : vector<16xi1>, vector<16xi32>
      %add3A_693 = arith.addi %add3A_688, %select_n3A_692 : vector<16xi32>
      %eq3A_694 = arith.constant 4 : i32
      %eq3A_695 = vector.broadcast %eq3A_694 : i32 to vector<16xi32>
      %eq3A_696 = arith.cmpi eq, %select_n3A_406, %eq3A_695 : vector<16xi32>
      %select_n3A_697 = arith.select %eq3A_696, %broadcast_in_dim3A_652, %broadcast_in_dim3A_654 : vector<16xi1>, vector<16xi32>
      %add3A_698 = arith.addi %scan3A_161, %select_n3A_697 : vector<16xi32>
      %eq3A_699 = arith.constant 4 : i32
      %eq3A_700 = vector.broadcast %eq3A_699 : i32 to vector<16xi32>
      %eq3A_701 = arith.cmpi eq, %select_n3A_634, %eq3A_700 : vector<16xi32>
      %select_n3A_702 = arith.select %eq3A_701, %broadcast_in_dim3A_652, %broadcast_in_dim3A_654 : vector<16xi1>, vector<16xi32>
      %add3A_703 = arith.addi %add3A_698, %select_n3A_702 : vector<16xi32>
      %eq3A_704 = arith.constant 5 : i32
      %eq3A_705 = vector.broadcast %eq3A_704 : i32 to vector<16xi32>
      %eq3A_706 = arith.cmpi eq, %select_n3A_406, %eq3A_705 : vector<16xi32>
      %select_n3A_707 = arith.select %eq3A_706, %broadcast_in_dim3A_652, %broadcast_in_dim3A_654 : vector<16xi1>, vector<16xi32>
      %add3A_708 = arith.addi %scan3A_162, %select_n3A_707 : vector<16xi32>
      %eq3A_709 = arith.constant 5 : i32
      %eq3A_710 = vector.broadcast %eq3A_709 : i32 to vector<16xi32>
      %eq3A_711 = arith.cmpi eq, %select_n3A_634, %eq3A_710 : vector<16xi32>
      %select_n3A_712 = arith.select %eq3A_711, %broadcast_in_dim3A_652, %broadcast_in_dim3A_654 : vector<16xi1>, vector<16xi32>
      %add3A_713 = arith.addi %add3A_708, %select_n3A_712 : vector<16xi32>
      %eq3A_714 = arith.constant 6 : i32
      %eq3A_715 = vector.broadcast %eq3A_714 : i32 to vector<16xi32>
      %eq3A_716 = arith.cmpi eq, %select_n3A_406, %eq3A_715 : vector<16xi32>
      %select_n3A_717 = arith.select %eq3A_716, %broadcast_in_dim3A_652, %broadcast_in_dim3A_654 : vector<16xi1>, vector<16xi32>
      %add3A_718 = arith.addi %scan3A_163, %select_n3A_717 : vector<16xi32>
      %eq3A_719 = arith.constant 6 : i32
      %eq3A_720 = vector.broadcast %eq3A_719 : i32 to vector<16xi32>
      %eq3A_721 = arith.cmpi eq, %select_n3A_634, %eq3A_720 : vector<16xi32>
      %select_n3A_722 = arith.select %eq3A_721, %broadcast_in_dim3A_652, %broadcast_in_dim3A_654 : vector<16xi1>, vector<16xi32>
      %add3A_723 = arith.addi %add3A_718, %select_n3A_722 : vector<16xi32>
      %eq3A_724 = arith.constant 7 : i32
      %eq3A_725 = vector.broadcast %eq3A_724 : i32 to vector<16xi32>
      %eq3A_726 = arith.cmpi eq, %select_n3A_406, %eq3A_725 : vector<16xi32>
      %select_n3A_727 = arith.select %eq3A_726, %broadcast_in_dim3A_652, %broadcast_in_dim3A_654 : vector<16xi1>, vector<16xi32>
      %add3A_728 = arith.addi %scan3A_164, %select_n3A_727 : vector<16xi32>
      %eq3A_729 = arith.constant 7 : i32
      %eq3A_730 = vector.broadcast %eq3A_729 : i32 to vector<16xi32>
      %eq3A_731 = arith.cmpi eq, %select_n3A_634, %eq3A_730 : vector<16xi32>
      %select_n3A_732 = arith.select %eq3A_731, %broadcast_in_dim3A_652, %broadcast_in_dim3A_654 : vector<16xi1>, vector<16xi32>
      %add3A_733 = arith.addi %add3A_728, %select_n3A_732 : vector<16xi32>
      %eq3A_734 = arith.constant 8 : i32
      %eq3A_735 = vector.broadcast %eq3A_734 : i32 to vector<16xi32>
      %eq3A_736 = arith.cmpi eq, %select_n3A_406, %eq3A_735 : vector<16xi32>
      %select_n3A_737 = arith.select %eq3A_736, %broadcast_in_dim3A_652, %broadcast_in_dim3A_654 : vector<16xi1>, vector<16xi32>
      %add3A_738 = arith.addi %scan3A_165, %select_n3A_737 : vector<16xi32>
      %eq3A_739 = arith.constant 8 : i32
      %eq3A_740 = vector.broadcast %eq3A_739 : i32 to vector<16xi32>
      %eq3A_741 = arith.cmpi eq, %select_n3A_634, %eq3A_740 : vector<16xi32>
      %select_n3A_742 = arith.select %eq3A_741, %broadcast_in_dim3A_652, %broadcast_in_dim3A_654 : vector<16xi1>, vector<16xi32>
      %add3A_743 = arith.addi %add3A_738, %select_n3A_742 : vector<16xi32>
      %eq3A_744 = arith.constant 9 : i32
      %eq3A_745 = vector.broadcast %eq3A_744 : i32 to vector<16xi32>
      %eq3A_746 = arith.cmpi eq, %select_n3A_406, %eq3A_745 : vector<16xi32>
      %select_n3A_747 = arith.select %eq3A_746, %broadcast_in_dim3A_652, %broadcast_in_dim3A_654 : vector<16xi1>, vector<16xi32>
      %add3A_748 = arith.addi %scan3A_166, %select_n3A_747 : vector<16xi32>
      %eq3A_749 = arith.constant 9 : i32
      %eq3A_750 = vector.broadcast %eq3A_749 : i32 to vector<16xi32>
      %eq3A_751 = arith.cmpi eq, %select_n3A_634, %eq3A_750 : vector<16xi32>
      %select_n3A_752 = arith.select %eq3A_751, %broadcast_in_dim3A_652, %broadcast_in_dim3A_654 : vector<16xi1>, vector<16xi32>
      %add3A_753 = arith.addi %add3A_748, %select_n3A_752 : vector<16xi32>
      %eq3A_754 = arith.constant 10 : i32
      %eq3A_755 = vector.broadcast %eq3A_754 : i32 to vector<16xi32>
      %eq3A_756 = arith.cmpi eq, %select_n3A_406, %eq3A_755 : vector<16xi32>
      %select_n3A_757 = arith.select %eq3A_756, %broadcast_in_dim3A_652, %broadcast_in_dim3A_654 : vector<16xi1>, vector<16xi32>
      %add3A_758 = arith.addi %scan3A_167, %select_n3A_757 : vector<16xi32>
      %eq3A_759 = arith.constant 10 : i32
      %eq3A_760 = vector.broadcast %eq3A_759 : i32 to vector<16xi32>
      %eq3A_761 = arith.cmpi eq, %select_n3A_634, %eq3A_760 : vector<16xi32>
      %select_n3A_762 = arith.select %eq3A_761, %broadcast_in_dim3A_652, %broadcast_in_dim3A_654 : vector<16xi1>, vector<16xi32>
      %add3A_763 = arith.addi %add3A_758, %select_n3A_762 : vector<16xi32>
      %eq3A_764 = arith.constant 11 : i32
      %eq3A_765 = vector.broadcast %eq3A_764 : i32 to vector<16xi32>
      %eq3A_766 = arith.cmpi eq, %select_n3A_406, %eq3A_765 : vector<16xi32>
      %select_n3A_767 = arith.select %eq3A_766, %broadcast_in_dim3A_652, %broadcast_in_dim3A_654 : vector<16xi1>, vector<16xi32>
      %add3A_768 = arith.addi %scan3A_168, %select_n3A_767 : vector<16xi32>
      %eq3A_769 = arith.constant 11 : i32
      %eq3A_770 = vector.broadcast %eq3A_769 : i32 to vector<16xi32>
      %eq3A_771 = arith.cmpi eq, %select_n3A_634, %eq3A_770 : vector<16xi32>
      %select_n3A_772 = arith.select %eq3A_771, %broadcast_in_dim3A_652, %broadcast_in_dim3A_654 : vector<16xi1>, vector<16xi32>
      %add3A_773 = arith.addi %add3A_768, %select_n3A_772 : vector<16xi32>
      %eq3A_774 = arith.constant 12 : i32
      %eq3A_775 = vector.broadcast %eq3A_774 : i32 to vector<16xi32>
      %eq3A_776 = arith.cmpi eq, %select_n3A_406, %eq3A_775 : vector<16xi32>
      %select_n3A_777 = arith.select %eq3A_776, %broadcast_in_dim3A_652, %broadcast_in_dim3A_654 : vector<16xi1>, vector<16xi32>
      %add3A_778 = arith.addi %scan3A_169, %select_n3A_777 : vector<16xi32>
      %eq3A_779 = arith.constant 12 : i32
      %eq3A_780 = vector.broadcast %eq3A_779 : i32 to vector<16xi32>
      %eq3A_781 = arith.cmpi eq, %select_n3A_634, %eq3A_780 : vector<16xi32>
      %select_n3A_782 = arith.select %eq3A_781, %broadcast_in_dim3A_652, %broadcast_in_dim3A_654 : vector<16xi1>, vector<16xi32>
      %add3A_783 = arith.addi %add3A_778, %select_n3A_782 : vector<16xi32>
      %eq3A_784 = arith.constant 13 : i32
      %eq3A_785 = vector.broadcast %eq3A_784 : i32 to vector<16xi32>
      %eq3A_786 = arith.cmpi eq, %select_n3A_406, %eq3A_785 : vector<16xi32>
      %select_n3A_787 = arith.select %eq3A_786, %broadcast_in_dim3A_652, %broadcast_in_dim3A_654 : vector<16xi1>, vector<16xi32>
      %add3A_788 = arith.addi %scan3A_170, %select_n3A_787 : vector<16xi32>
      %eq3A_789 = arith.constant 13 : i32
      %eq3A_790 = vector.broadcast %eq3A_789 : i32 to vector<16xi32>
      %eq3A_791 = arith.cmpi eq, %select_n3A_634, %eq3A_790 : vector<16xi32>
      %select_n3A_792 = arith.select %eq3A_791, %broadcast_in_dim3A_652, %broadcast_in_dim3A_654 : vector<16xi1>, vector<16xi32>
      %add3A_793 = arith.addi %add3A_788, %select_n3A_792 : vector<16xi32>
      %eq3A_794 = arith.constant 14 : i32
      %eq3A_795 = vector.broadcast %eq3A_794 : i32 to vector<16xi32>
      %eq3A_796 = arith.cmpi eq, %select_n3A_406, %eq3A_795 : vector<16xi32>
      %select_n3A_797 = arith.select %eq3A_796, %broadcast_in_dim3A_652, %broadcast_in_dim3A_654 : vector<16xi1>, vector<16xi32>
      %add3A_798 = arith.addi %scan3A_171, %select_n3A_797 : vector<16xi32>
      %eq3A_799 = arith.constant 14 : i32
      %eq3A_800 = vector.broadcast %eq3A_799 : i32 to vector<16xi32>
      %eq3A_801 = arith.cmpi eq, %select_n3A_634, %eq3A_800 : vector<16xi32>
      %select_n3A_802 = arith.select %eq3A_801, %broadcast_in_dim3A_652, %broadcast_in_dim3A_654 : vector<16xi1>, vector<16xi32>
      %add3A_803 = arith.addi %add3A_798, %select_n3A_802 : vector<16xi32>
      %eq3A_804 = arith.constant 15 : i32
      %eq3A_805 = vector.broadcast %eq3A_804 : i32 to vector<16xi32>
      %eq3A_806 = arith.cmpi eq, %select_n3A_406, %eq3A_805 : vector<16xi32>
      %select_n3A_807 = arith.select %eq3A_806, %broadcast_in_dim3A_652, %broadcast_in_dim3A_654 : vector<16xi1>, vector<16xi32>
      %add3A_808 = arith.addi %scan3A_172, %select_n3A_807 : vector<16xi32>
      %eq3A_809 = arith.constant 15 : i32
      %eq3A_810 = vector.broadcast %eq3A_809 : i32 to vector<16xi32>
      %eq3A_811 = arith.cmpi eq, %select_n3A_634, %eq3A_810 : vector<16xi32>
      %select_n3A_812 = arith.select %eq3A_811, %broadcast_in_dim3A_652, %broadcast_in_dim3A_654 : vector<16xi1>, vector<16xi32>
      %add3A_813 = arith.addi %add3A_808, %select_n3A_812 : vector<16xi32>
      scf.yield %add3A_663, %add3A_673, %add3A_683, %add3A_693, %add3A_703, %add3A_713, %add3A_723, %add3A_733, %add3A_743, %add3A_753, %add3A_763, %add3A_773, %add3A_783, %add3A_793, %add3A_803, %add3A_813 : vector<16xi32>, vector<16xi32>, vector<16xi32>, vector<16xi32>, vector<16xi32>, vector<16xi32>, vector<16xi32>, vector<16xi32>, vector<16xi32>, vector<16xi32>, vector<16xi32>, vector<16xi32>, vector<16xi32>, vector<16xi32>, vector<16xi32>, vector<16xi32>
    }
    %scan3A_40 = arith.constant 32 : i32
    %convert_element_type3A = arith.sitofp %scan3A_39#0 : vector<16xi32> to vector<16xf32>
    %swap3A = arith.constant 0 : i32
    %swap3A_41 = arith.index_cast %swap3A : i32 to index
    %swap3A_42 = arith.constant 0 : index
    %swap3A_43 = tpu.vector_load %arg13[%swap3A_41, %swap3A_42] {strides = array<i32>} : memref<16x16xf32, #tpu.memory_space<vmem>>, vector<1x16xf32>,
    %swap3A_44 = vector.shape_cast %swap3A_43 : vector<1x16xf32> to vector<16xf32>
    %swap3A_45 = vector.shape_cast %convert_element_type3A : vector<16xf32> to vector<1x16xf32>
    tpu.vector_store %arg13[%swap3A_41, %swap3A_42], %swap3A_45 {strides = array<i32>} : memref<16x16xf32, #tpu.memory_space<vmem>>, vector<1x16xf32>,
    %convert_element_type3A_46 = arith.sitofp %scan3A_39#1 : vector<16xi32> to vector<16xf32>
    %swap3A_47 = arith.constant 1 : i32
    %swap3A_48 = arith.index_cast %swap3A_47 : i32 to index
    %swap3A_49 = arith.constant 0 : index
    %swap3A_50 = tpu.vector_load %arg13[%swap3A_48, %swap3A_49] {strides = array<i32>} : memref<16x16xf32, #tpu.memory_space<vmem>>, vector<1x16xf32>,
    %swap3A_51 = vector.shape_cast %swap3A_50 : vector<1x16xf32> to vector<16xf32>
    %swap3A_52 = vector.shape_cast %convert_element_type3A_46 : vector<16xf32> to vector<1x16xf32>
    tpu.vector_store %arg13[%swap3A_48, %swap3A_49], %swap3A_52 {strides = array<i32>} : memref<16x16xf32, #tpu.memory_space<vmem>>, vector<1x16xf32>,
    %convert_element_type3A_53 = arith.sitofp %scan3A_39#2 : vector<16xi32> to vector<16xf32>
    %swap3A_54 = arith.constant 2 : i32
    %swap3A_55 = arith.index_cast %swap3A_54 : i32 to index
    %swap3A_56 = arith.constant 0 : index
    %swap3A_57 = tpu.vector_load %arg13[%swap3A_55, %swap3A_56] {strides = array<i32>} : memref<16x16xf32, #tpu.memory_space<vmem>>, vector<1x16xf32>,
    %swap3A_58 = vector.shape_cast %swap3A_57 : vector<1x16xf32> to vector<16xf32>
    %swap3A_59 = vector.shape_cast %convert_element_type3A_53 : vector<16xf32> to vector<1x16xf32>
    tpu.vector_store %arg13[%swap3A_55, %swap3A_56], %swap3A_59 {strides = array<i32>} : memref<16x16xf32, #tpu.memory_space<vmem>>, vector<1x16xf32>,
    %convert_element_type3A_60 = arith.sitofp %scan3A_39#3 : vector<16xi32> to vector<16xf32>
    %swap3A_61 = arith.constant 3 : i32
    %swap3A_62 = arith.index_cast %swap3A_61 : i32 to index
    %swap3A_63 = arith.constant 0 : index
    %swap3A_64 = tpu.vector_load %arg13[%swap3A_62, %swap3A_63] {strides = array<i32>} : memref<16x16xf32, #tpu.memory_space<vmem>>, vector<1x16xf32>,
    %swap3A_65 = vector.shape_cast %swap3A_64 : vector<1x16xf32> to vector<16xf32>
    %swap3A_66 = vector.shape_cast %convert_element_type3A_60 : vector<16xf32> to vector<1x16xf32>
    tpu.vector_store %arg13[%swap3A_62, %swap3A_63], %swap3A_66 {strides = array<i32>} : memref<16x16xf32, #tpu.memory_space<vmem>>, vector<1x16xf32>,
    %convert_element_type3A_67 = arith.sitofp %scan3A_39#4 : vector<16xi32> to vector<16xf32>
    %swap3A_68 = arith.constant 4 : i32
    %swap3A_69 = arith.index_cast %swap3A_68 : i32 to index
    %swap3A_70 = arith.constant 0 : index
    %swap3A_71 = tpu.vector_load %arg13[%swap3A_69, %swap3A_70] {strides = array<i32>} : memref<16x16xf32, #tpu.memory_space<vmem>>, vector<1x16xf32>,
    %swap3A_72 = vector.shape_cast %swap3A_71 : vector<1x16xf32> to vector<16xf32>
    %swap3A_73 = vector.shape_cast %convert_element_type3A_67 : vector<16xf32> to vector<1x16xf32>
    tpu.vector_store %arg13[%swap3A_69, %swap3A_70], %swap3A_73 {strides = array<i32>} : memref<16x16xf32, #tpu.memory_space<vmem>>, vector<1x16xf32>,
    %convert_element_type3A_74 = arith.sitofp %scan3A_39#5 : vector<16xi32> to vector<16xf32>
    %swap3A_75 = arith.constant 5 : i32
    %swap3A_76 = arith.index_cast %swap3A_75 : i32 to index
    %swap3A_77 = arith.constant 0 : index
    %swap3A_78 = tpu.vector_load %arg13[%swap3A_76, %swap3A_77] {strides = array<i32>} : memref<16x16xf32, #tpu.memory_space<vmem>>, vector<1x16xf32>,
    %swap3A_79 = vector.shape_cast %swap3A_78 : vector<1x16xf32> to vector<16xf32>
    %swap3A_80 = vector.shape_cast %convert_element_type3A_74 : vector<16xf32> to vector<1x16xf32>
    tpu.vector_store %arg13[%swap3A_76, %swap3A_77], %swap3A_80 {strides = array<i32>} : memref<16x16xf32, #tpu.memory_space<vmem>>, vector<1x16xf32>,
    %convert_element_type3A_81 = arith.sitofp %scan3A_39#6 : vector<16xi32> to vector<16xf32>
    %swap3A_82 = arith.constant 6 : i32
    %swap3A_83 = arith.index_cast %swap3A_82 : i32 to index
    %swap3A_84 = arith.constant 0 : index
    %swap3A_85 = tpu.vector_load %arg13[%swap3A_83, %swap3A_84] {strides = array<i32>} : memref<16x16xf32, #tpu.memory_space<vmem>>, vector<1x16xf32>,
    %swap3A_86 = vector.shape_cast %swap3A_85 : vector<1x16xf32> to vector<16xf32>
    %swap3A_87 = vector.shape_cast %convert_element_type3A_81 : vector<16xf32> to vector<1x16xf32>
    tpu.vector_store %arg13[%swap3A_83, %swap3A_84], %swap3A_87 {strides = array<i32>} : memref<16x16xf32, #tpu.memory_space<vmem>>, vector<1x16xf32>,
    %convert_element_type3A_88 = arith.sitofp %scan3A_39#7 : vector<16xi32> to vector<16xf32>
    %swap3A_89 = arith.constant 7 : i32
    %swap3A_90 = arith.index_cast %swap3A_89 : i32 to index
    %swap3A_91 = arith.constant 0 : index
    %swap3A_92 = tpu.vector_load %arg13[%swap3A_90, %swap3A_91] {strides = array<i32>} : memref<16x16xf32, #tpu.memory_space<vmem>>, vector<1x16xf32>,
    %swap3A_93 = vector.shape_cast %swap3A_92 : vector<1x16xf32> to vector<16xf32>
    %swap3A_94 = vector.shape_cast %convert_element_type3A_88 : vector<16xf32> to vector<1x16xf32>
    tpu.vector_store %arg13[%swap3A_90, %swap3A_91], %swap3A_94 {strides = array<i32>} : memref<16x16xf32, #tpu.memory_space<vmem>>, vector<1x16xf32>,
    %convert_element_type3A_95 = arith.sitofp %scan3A_39#8 : vector<16xi32> to vector<16xf32>
    %swap3A_96 = arith.constant 8 : i32
    %swap3A_97 = arith.index_cast %swap3A_96 : i32 to index
    %swap3A_98 = arith.constant 0 : index
    %swap3A_99 = tpu.vector_load %arg13[%swap3A_97, %swap3A_98] {strides = array<i32>} : memref<16x16xf32, #tpu.memory_space<vmem>>, vector<1x16xf32>,
    %swap3A_100 = vector.shape_cast %swap3A_99 : vector<1x16xf32> to vector<16xf32>
    %swap3A_101 = vector.shape_cast %convert_element_type3A_95 : vector<16xf32> to vector<1x16xf32>
    tpu.vector_store %arg13[%swap3A_97, %swap3A_98], %swap3A_101 {strides = array<i32>} : memref<16x16xf32, #tpu.memory_space<vmem>>, vector<1x16xf32>,
    %convert_element_type3A_102 = arith.sitofp %scan3A_39#9 : vector<16xi32> to vector<16xf32>
    %swap3A_103 = arith.constant 9 : i32
    %swap3A_104 = arith.index_cast %swap3A_103 : i32 to index
    %swap3A_105 = arith.constant 0 : index
    %swap3A_106 = tpu.vector_load %arg13[%swap3A_104, %swap3A_105] {strides = array<i32>} : memref<16x16xf32, #tpu.memory_space<vmem>>, vector<1x16xf32>,
    %swap3A_107 = vector.shape_cast %swap3A_106 : vector<1x16xf32> to vector<16xf32>
    %swap3A_108 = vector.shape_cast %convert_element_type3A_102 : vector<16xf32> to vector<1x16xf32>
    tpu.vector_store %arg13[%swap3A_104, %swap3A_105], %swap3A_108 {strides = array<i32>} : memref<16x16xf32, #tpu.memory_space<vmem>>, vector<1x16xf32>,
    %convert_element_type3A_109 = arith.sitofp %scan3A_39#10 : vector<16xi32> to vector<16xf32>
    %swap3A_110 = arith.constant 10 : i32
    %swap3A_111 = arith.index_cast %swap3A_110 : i32 to index
    %swap3A_112 = arith.constant 0 : index
    %swap3A_113 = tpu.vector_load %arg13[%swap3A_111, %swap3A_112] {strides = array<i32>} : memref<16x16xf32, #tpu.memory_space<vmem>>, vector<1x16xf32>,
    %swap3A_114 = vector.shape_cast %swap3A_113 : vector<1x16xf32> to vector<16xf32>
    %swap3A_115 = vector.shape_cast %convert_element_type3A_109 : vector<16xf32> to vector<1x16xf32>
    tpu.vector_store %arg13[%swap3A_111, %swap3A_112], %swap3A_115 {strides = array<i32>} : memref<16x16xf32, #tpu.memory_space<vmem>>, vector<1x16xf32>,
    %convert_element_type3A_116 = arith.sitofp %scan3A_39#11 : vector<16xi32> to vector<16xf32>
    %swap3A_117 = arith.constant 11 : i32
    %swap3A_118 = arith.index_cast %swap3A_117 : i32 to index
    %swap3A_119 = arith.constant 0 : index
    %swap3A_120 = tpu.vector_load %arg13[%swap3A_118, %swap3A_119] {strides = array<i32>} : memref<16x16xf32, #tpu.memory_space<vmem>>, vector<1x16xf32>,
    %swap3A_121 = vector.shape_cast %swap3A_120 : vector<1x16xf32> to vector<16xf32>
    %swap3A_122 = vector.shape_cast %convert_element_type3A_116 : vector<16xf32> to vector<1x16xf32>
    tpu.vector_store %arg13[%swap3A_118, %swap3A_119], %swap3A_122 {strides = array<i32>} : memref<16x16xf32, #tpu.memory_space<vmem>>, vector<1x16xf32>,
    %convert_element_type3A_123 = arith.sitofp %scan3A_39#12 : vector<16xi32> to vector<16xf32>
    %swap3A_124 = arith.constant 12 : i32
    %swap3A_125 = arith.index_cast %swap3A_124 : i32 to index
    %swap3A_126 = arith.constant 0 : index
    %swap3A_127 = tpu.vector_load %arg13[%swap3A_125, %swap3A_126] {strides = array<i32>} : memref<16x16xf32, #tpu.memory_space<vmem>>, vector<1x16xf32>,
    %swap3A_128 = vector.shape_cast %swap3A_127 : vector<1x16xf32> to vector<16xf32>
    %swap3A_129 = vector.shape_cast %convert_element_type3A_123 : vector<16xf32> to vector<1x16xf32>
    tpu.vector_store %arg13[%swap3A_125, %swap3A_126], %swap3A_129 {strides = array<i32>} : memref<16x16xf32, #tpu.memory_space<vmem>>, vector<1x16xf32>,
    %convert_element_type3A_130 = arith.sitofp %scan3A_39#13 : vector<16xi32> to vector<16xf32>
    %swap3A_131 = arith.constant 13 : i32
    %swap3A_132 = arith.index_cast %swap3A_131 : i32 to index
    %swap3A_133 = arith.constant 0 : index
    %swap3A_134 = tpu.vector_load %arg13[%swap3A_132, %swap3A_133] {strides = array<i32>} : memref<16x16xf32, #tpu.memory_space<vmem>>, vector<1x16xf32>,
    %swap3A_135 = vector.shape_cast %swap3A_134 : vector<1x16xf32> to vector<16xf32>
    %swap3A_136 = vector.shape_cast %convert_element_type3A_130 : vector<16xf32> to vector<1x16xf32>
    tpu.vector_store %arg13[%swap3A_132, %swap3A_133], %swap3A_136 {strides = array<i32>} : memref<16x16xf32, #tpu.memory_space<vmem>>, vector<1x16xf32>,
    %convert_element_type3A_137 = arith.sitofp %scan3A_39#14 : vector<16xi32> to vector<16xf32>
    %swap3A_138 = arith.constant 14 : i32
    %swap3A_139 = arith.index_cast %swap3A_138 : i32 to index
    %swap3A_140 = arith.constant 0 : index
    %swap3A_141 = tpu.vector_load %arg13[%swap3A_139, %swap3A_140] {strides = array<i32>} : memref<16x16xf32, #tpu.memory_space<vmem>>, vector<1x16xf32>,
    %swap3A_142 = vector.shape_cast %swap3A_141 : vector<1x16xf32> to vector<16xf32>
    %swap3A_143 = vector.shape_cast %convert_element_type3A_137 : vector<16xf32> to vector<1x16xf32>
    tpu.vector_store %arg13[%swap3A_139, %swap3A_140], %swap3A_143 {strides = array<i32>} : memref<16x16xf32, #tpu.memory_space<vmem>>, vector<1x16xf32>,
    %convert_element_type3A_144 = arith.sitofp %scan3A_39#15 : vector<16xi32> to vector<16xf32>
    %swap3A_145 = arith.constant 15 : i32
    %swap3A_146 = arith.index_cast %swap3A_145 : i32 to index
    %swap3A_147 = arith.constant 0 : index
    %swap3A_148 = tpu.vector_load %arg13[%swap3A_146, %swap3A_147] {strides = array<i32>} : memref<16x16xf32, #tpu.memory_space<vmem>>, vector<1x16xf32>,
    %swap3A_149 = vector.shape_cast %swap3A_148 : vector<1x16xf32> to vector<16xf32>
    %swap3A_150 = vector.shape_cast %convert_element_type3A_144 : vector<16xf32> to vector<1x16xf32>
    tpu.vector_store %arg13[%swap3A_146, %swap3A_147], %swap3A_150 {strides = array<i32>} : memref<16x16xf32, #tpu.memory_space<vmem>>, vector<1x16xf32>,
    %run_scoped3A = arith.constant 0 : i32
    "tpu.region"() ({
      %run_scoped3A_156 = tpu.sem_alloc : memref<!tpu.dma_semaphore, #tpu.memory_space<semaphore_mem>>
      %dma_start3A = tpu.memref_slice %arg4[%run_scoped3A, %mul3A_2] : memref<2x16384xf32, #tpu.memory_space<hbm>> -> memref<1x512xf32, #tpu.memory_space<hbm>>
      %dma_start3A_157 = tpu.memref_squeeze %dma_start3A : memref<1x512xf32, #tpu.memory_space<hbm>> -> memref<512xf32, #tpu.memory_space<hbm>>
      %dma_start3A_158 = tpu.memref_slice %arg4[%run_scoped3A, %mul3A_2] : memref<2x16384xf32, #tpu.memory_space<hbm>> -> memref<1x512xf32, #tpu.memory_space<hbm>>
      %dma_start3A_159 = tpu.memref_squeeze %dma_start3A_158 : memref<1x512xf32, #tpu.memory_space<hbm>> -> memref<512xf32, #tpu.memory_space<hbm>>
      tpu.enqueue_dma source(%arg9 : memref<512xf32, #tpu.memory_space<vmem>>) target(%dma_start3A_159 : memref<512xf32, #tpu.memory_space<hbm>>) target_semaphore(%run_scoped3A_156 : memref<!tpu.dma_semaphore, #tpu.memory_space<semaphore_mem>>)
      %dma_wait3A = tpu.memref_slice %arg4[%run_scoped3A, %mul3A_2] : memref<2x16384xf32, #tpu.memory_space<hbm>> -> memref<1x512xf32, #tpu.memory_space<hbm>>
      %dma_wait3A_160 = tpu.memref_squeeze %dma_wait3A : memref<1x512xf32, #tpu.memory_space<hbm>> -> memref<512xf32, #tpu.memory_space<hbm>>
      %dma_wait3A_161 = tpu.memref_slice %arg4[%run_scoped3A, %mul3A_2] : memref<2x16384xf32, #tpu.memory_space<hbm>> -> memref<1x512xf32, #tpu.memory_space<hbm>>
      %dma_wait3A_162 = tpu.memref_squeeze %dma_wait3A_161 : memref<1x512xf32, #tpu.memory_space<hbm>> -> memref<512xf32, #tpu.memory_space<hbm>>
      tpu.wait_dma2 semaphore(%run_scoped3A_156 : memref<!tpu.dma_semaphore, #tpu.memory_space<semaphore_mem>>) src(%arg9 : memref<512xf32, #tpu.memory_space<vmem>>) dst(%dma_wait3A_162 : memref<512xf32, #tpu.memory_space<hbm>>)
      tpu.yield
    }) : () -> ()
    %run_scoped3A_151 = arith.constant 1 : i32
    "tpu.region"() ({
      %run_scoped3A_156 = tpu.sem_alloc : memref<!tpu.dma_semaphore, #tpu.memory_space<semaphore_mem>>
      %dma_start3A = tpu.memref_slice %arg4[%run_scoped3A_151, %mul3A_2] : memref<2x16384xf32, #tpu.memory_space<hbm>> -> memref<1x512xf32, #tpu.memory_space<hbm>>
      %dma_start3A_157 = tpu.memref_squeeze %dma_start3A : memref<1x512xf32, #tpu.memory_space<hbm>> -> memref<512xf32, #tpu.memory_space<hbm>>
      %dma_start3A_158 = tpu.memref_slice %arg4[%run_scoped3A_151, %mul3A_2] : memref<2x16384xf32, #tpu.memory_space<hbm>> -> memref<1x512xf32, #tpu.memory_space<hbm>>
      %dma_start3A_159 = tpu.memref_squeeze %dma_start3A_158 : memref<1x512xf32, #tpu.memory_space<hbm>> -> memref<512xf32, #tpu.memory_space<hbm>>
      tpu.enqueue_dma source(%arg10 : memref<512xf32, #tpu.memory_space<vmem>>) target(%dma_start3A_159 : memref<512xf32, #tpu.memory_space<hbm>>) target_semaphore(%run_scoped3A_156 : memref<!tpu.dma_semaphore, #tpu.memory_space<semaphore_mem>>)
      %dma_wait3A = tpu.memref_slice %arg4[%run_scoped3A_151, %mul3A_2] : memref<2x16384xf32, #tpu.memory_space<hbm>> -> memref<1x512xf32, #tpu.memory_space<hbm>>
      %dma_wait3A_160 = tpu.memref_squeeze %dma_wait3A : memref<1x512xf32, #tpu.memory_space<hbm>> -> memref<512xf32, #tpu.memory_space<hbm>>
      %dma_wait3A_161 = tpu.memref_slice %arg4[%run_scoped3A_151, %mul3A_2] : memref<2x16384xf32, #tpu.memory_space<hbm>> -> memref<1x512xf32, #tpu.memory_space<hbm>>
      %dma_wait3A_162 = tpu.memref_squeeze %dma_wait3A_161 : memref<1x512xf32, #tpu.memory_space<hbm>> -> memref<512xf32, #tpu.memory_space<hbm>>
      tpu.wait_dma2 semaphore(%run_scoped3A_156 : memref<!tpu.dma_semaphore, #tpu.memory_space<semaphore_mem>>) src(%arg10 : memref<512xf32, #tpu.memory_space<vmem>>) dst(%dma_wait3A_162 : memref<512xf32, #tpu.memory_space<hbm>>)
      tpu.yield
    }) : () -> ()
    %run_scoped3A_152 = arith.constant 0 : i32
    "tpu.region"() ({
      %run_scoped3A_156 = tpu.sem_alloc : memref<!tpu.dma_semaphore, #tpu.memory_space<semaphore_mem>>
      %dma_start3A = tpu.memref_slice %arg5[%run_scoped3A_152, %mul3A_2] : memref<2x16384xi32, #tpu.memory_space<hbm>> -> memref<1x512xi32, #tpu.memory_space<hbm>>
      %dma_start3A_157 = tpu.memref_squeeze %dma_start3A : memref<1x512xi32, #tpu.memory_space<hbm>> -> memref<512xi32, #tpu.memory_space<hbm>>
      %dma_start3A_158 = tpu.memref_slice %arg5[%run_scoped3A_152, %mul3A_2] : memref<2x16384xi32, #tpu.memory_space<hbm>> -> memref<1x512xi32, #tpu.memory_space<hbm>>
      %dma_start3A_159 = tpu.memref_squeeze %dma_start3A_158 : memref<1x512xi32, #tpu.memory_space<hbm>> -> memref<512xi32, #tpu.memory_space<hbm>>
      tpu.enqueue_dma source(%arg11 : memref<512xi32, #tpu.memory_space<vmem>>) target(%dma_start3A_159 : memref<512xi32, #tpu.memory_space<hbm>>) target_semaphore(%run_scoped3A_156 : memref<!tpu.dma_semaphore, #tpu.memory_space<semaphore_mem>>)
      %dma_wait3A = tpu.memref_slice %arg5[%run_scoped3A_152, %mul3A_2] : memref<2x16384xi32, #tpu.memory_space<hbm>> -> memref<1x512xi32, #tpu.memory_space<hbm>>
      %dma_wait3A_160 = tpu.memref_squeeze %dma_wait3A : memref<1x512xi32, #tpu.memory_space<hbm>> -> memref<512xi32, #tpu.memory_space<hbm>>
      %dma_wait3A_161 = tpu.memref_slice %arg5[%run_scoped3A_152, %mul3A_2] : memref<2x16384xi32, #tpu.memory_space<hbm>> -> memref<1x512xi32, #tpu.memory_space<hbm>>
      %dma_wait3A_162 = tpu.memref_squeeze %dma_wait3A_161 : memref<1x512xi32, #tpu.memory_space<hbm>> -> memref<512xi32, #tpu.memory_space<hbm>>
      tpu.wait_dma2 semaphore(%run_scoped3A_156 : memref<!tpu.dma_semaphore, #tpu.memory_space<semaphore_mem>>) src(%arg11 : memref<512xi32, #tpu.memory_space<vmem>>) dst(%dma_wait3A_162 : memref<512xi32, #tpu.memory_space<hbm>>)
      tpu.yield
    }) : () -> ()
    %run_scoped3A_153 = arith.constant 1 : i32
    "tpu.region"() ({
      %run_scoped3A_156 = tpu.sem_alloc : memref<!tpu.dma_semaphore, #tpu.memory_space<semaphore_mem>>
      %dma_start3A = tpu.memref_slice %arg5[%run_scoped3A_153, %mul3A_2] : memref<2x16384xi32, #tpu.memory_space<hbm>> -> memref<1x512xi32, #tpu.memory_space<hbm>>
      %dma_start3A_157 = tpu.memref_squeeze %dma_start3A : memref<1x512xi32, #tpu.memory_space<hbm>> -> memref<512xi32, #tpu.memory_space<hbm>>
      %dma_start3A_158 = tpu.memref_slice %arg5[%run_scoped3A_153, %mul3A_2] : memref<2x16384xi32, #tpu.memory_space<hbm>> -> memref<1x512xi32, #tpu.memory_space<hbm>>
      %dma_start3A_159 = tpu.memref_squeeze %dma_start3A_158 : memref<1x512xi32, #tpu.memory_space<hbm>> -> memref<512xi32, #tpu.memory_space<hbm>>
      tpu.enqueue_dma source(%arg12 : memref<512xi32, #tpu.memory_space<vmem>>) target(%dma_start3A_159 : memref<512xi32, #tpu.memory_space<hbm>>) target_semaphore(%run_scoped3A_156 : memref<!tpu.dma_semaphore, #tpu.memory_space<semaphore_mem>>)
      %dma_wait3A = tpu.memref_slice %arg5[%run_scoped3A_153, %mul3A_2] : memref<2x16384xi32, #tpu.memory_space<hbm>> -> memref<1x512xi32, #tpu.memory_space<hbm>>
      %dma_wait3A_160 = tpu.memref_squeeze %dma_wait3A : memref<1x512xi32, #tpu.memory_space<hbm>> -> memref<512xi32, #tpu.memory_space<hbm>>
      %dma_wait3A_161 = tpu.memref_slice %arg5[%run_scoped3A_153, %mul3A_2] : memref<2x16384xi32, #tpu.memory_space<hbm>> -> memref<1x512xi32, #tpu.memory_space<hbm>>
      %dma_wait3A_162 = tpu.memref_squeeze %dma_wait3A_161 : memref<1x512xi32, #tpu.memory_space<hbm>> -> memref<512xi32, #tpu.memory_space<hbm>>
      tpu.wait_dma2 semaphore(%run_scoped3A_156 : memref<!tpu.dma_semaphore, #tpu.memory_space<semaphore_mem>>) src(%arg12 : memref<512xi32, #tpu.memory_space<vmem>>) dst(%dma_wait3A_162 : memref<512xi32, #tpu.memory_space<hbm>>)
      tpu.yield
    }) : () -> ()
    %mul3A_154 = arith.constant 16 : i32
    %mul3A_155 = arith.muli %add3A, %mul3A_154 : i32
    "tpu.region"() ({
      %run_scoped3A_156 = tpu.sem_alloc : memref<!tpu.dma_semaphore, #tpu.memory_space<semaphore_mem>>
      %dma_start3A = arith.constant 0 : i32
      %dma_start3A_157 = tpu.memref_slice %arg6[%mul3A_155, %dma_start3A] : memref<512x16xf32, #tpu.memory_space<hbm>> -> memref<16x16xf32, #tpu.memory_space<hbm>>
      %dma_start3A_158 = arith.constant 0 : i32
      %dma_start3A_159 = tpu.memref_slice %arg6[%mul3A_155, %dma_start3A_158] : memref<512x16xf32, #tpu.memory_space<hbm>> -> memref<16x16xf32, #tpu.memory_space<hbm>>
      tpu.enqueue_dma source(%arg13 : memref<16x16xf32, #tpu.memory_space<vmem>>) target(%dma_start3A_159 : memref<16x16xf32, #tpu.memory_space<hbm>>) target_semaphore(%run_scoped3A_156 : memref<!tpu.dma_semaphore, #tpu.memory_space<semaphore_mem>>)
      %dma_wait3A = arith.constant 0 : i32
      %dma_wait3A_160 = tpu.memref_slice %arg6[%mul3A_155, %dma_wait3A] : memref<512x16xf32, #tpu.memory_space<hbm>> -> memref<16x16xf32, #tpu.memory_space<hbm>>
      %dma_wait3A_161 = arith.constant 0 : i32
      %dma_wait3A_162 = tpu.memref_slice %arg6[%mul3A_155, %dma_wait3A_161] : memref<512x16xf32, #tpu.memory_space<hbm>> -> memref<16x16xf32, #tpu.memory_space<hbm>>
      tpu.wait_dma2 semaphore(%run_scoped3A_156 : memref<!tpu.dma_semaphore, #tpu.memory_space<semaphore_mem>>) src(%arg13 : memref<16x16xf32, #tpu.memory_space<vmem>>) dst(%dma_wait3A_162 : memref<16x16xf32, #tpu.memory_space<hbm>>)
      tpu.yield
    }) : () -> ()
    return
  }
}

module attributes {stable_mosaic.version = 14 : i64} {
  func.func @_gate_body(%arg0: i32, %arg1: memref<1024x2048xf32, #tpu.memory_space<vmem>>, %arg2: memref<16x2048xf32, #tpu.memory_space<vmem>>, %arg3: memref<2x16x512xf32, #tpu.memory_space<vmem>>) attributes {dimension_semantics = [#tpu.dimension_semantics<arbitrary>], iteration_bounds = array<i64: 16>, scalar_prefetch = 0 : i64, scratch_operands = 0 : i64, tpu.core_type = #tpu.core_type<tc>, window_params = [{transform_indices = @transform_0, window_bounds = array<i64: 1024, 2048>}, {pipeline_mode = #tpu.pipeline_mode<synchronous>, transform_indices = @transform_1, window_bounds = array<i64: 16, 2048>}, {transform_indices = @transform_2, window_bounds = array<i64: 2, 16, 512>}]} {
    %get3A = arith.constant 0 : index
    %get3A_0 = arith.constant 0 : index
    %get3A_1 = vector.load %arg2[%get3A, %get3A_0] : memref<16x2048xf32, #tpu.memory_space<vmem>>, vector<16x2048xf32>
    %get3A_2 = arith.constant 0 : index
    %get3A_3 = arith.constant 0 : index
    %get3A_4 = vector.load %arg1[%get3A_2, %get3A_3] : memref<1024x2048xf32, #tpu.memory_space<vmem>>, vector<1024x2048xf32>
    %dot_general3A = arith.constant dense<0.000000e+00> : vector<16x1024xf32>
    %dot_general3A_5 = tpu.matmul %get3A_1, %get3A_4, %dot_general3A {dimension_numbers = #tpu.dot_dimension_numbers<[1], [1], [0], [0], [0, 0, 1, 0], [], []>, transpose_lhs_hint = false} : vector<16x2048xf32>, vector<1024x2048xf32>, vector<16x1024xf32> -> vector<16x1024xf32>
    %logistic3A = arith.negf %dot_general3A_5 : vector<16x1024xf32>
    %logistic3A_6 = math.exp %logistic3A : vector<16x1024xf32>
    %logistic3A_7 = arith.constant 1.000000e+00 : f32
    %logistic3A_8 = vector.broadcast %logistic3A_7 : f32 to vector<16x1024xf32>
    %logistic3A_9 = arith.addf %logistic3A_8, %logistic3A_6 : vector<16x1024xf32>
    %logistic3A_10 = arith.divf %logistic3A_8, %logistic3A_9 : vector<16x1024xf32>
    %slice3A = vector.extract_strided_slice %logistic3A_10 {offsets = [0, 0], sizes = [16, 512], strides = [1, 1]} : vector<16x1024xf32> to vector<16x512xf32>
    %swap3A = arith.constant 0 : index
    %swap3A_11 = arith.constant 0 : index
    %swap3A_12 = arith.constant 0 : index
    %swap3A_13 = vector.load %arg3[%swap3A, %swap3A_11, %swap3A_12] : memref<2x16x512xf32, #tpu.memory_space<vmem>>, vector<1x16x512xf32>
    %swap3A_14 = vector.shape_cast %swap3A_13 : vector<1x16x512xf32> to vector<16x512xf32>
    %swap3A_15 = vector.shape_cast %slice3A : vector<16x512xf32> to vector<1x16x512xf32>
    tpu.vector_store %arg3[%swap3A, %swap3A_11, %swap3A_12], %swap3A_15 {strides = array<i32>} : memref<2x16x512xf32, #tpu.memory_space<vmem>>, vector<1x16x512xf32>,
    %slice3A_16 = vector.extract_strided_slice %logistic3A_10 {offsets = [0, 512], sizes = [16, 512], strides = [1, 1]} : vector<16x1024xf32> to vector<16x512xf32>
    %swap3A_17 = arith.constant 1 : index
    %swap3A_18 = arith.constant 0 : index
    %swap3A_19 = arith.constant 0 : index
    %swap3A_20 = vector.load %arg3[%swap3A_17, %swap3A_18, %swap3A_19] : memref<2x16x512xf32, #tpu.memory_space<vmem>>, vector<1x16x512xf32>
    %swap3A_21 = vector.shape_cast %swap3A_20 : vector<1x16x512xf32> to vector<16x512xf32>
    %swap3A_22 = vector.shape_cast %slice3A_16 : vector<16x512xf32> to vector<1x16x512xf32>
    tpu.vector_store %arg3[%swap3A_17, %swap3A_18, %swap3A_19], %swap3A_22 {strides = array<i32>} : memref<2x16x512xf32, #tpu.memory_space<vmem>>, vector<1x16x512xf32>,
    return
  }
  func.func @transform_0(%arg0: i32) -> (i32, i32) {
    %c0_i32 = arith.constant 0 : i32
    %c0_i32_0 = arith.constant 0 : i32
    return %arg0, %c0_i32 : i32, i32
  }
  func.func @transform_1(%arg0: i32) -> (i32, i32) {
    %c0_i32 = arith.constant 0 : i32
    %c0_i32_0 = arith.constant 0 : i32
    %c0_i32_1 = arith.constant 0 : i32
    return %c0_i32, %c0_i32_0 : i32, i32
  }
  func.func @transform_2(%arg0: i32) -> (i32, i32, i32) {
    %c0_i32 = arith.constant 0 : i32
    %c0_i32_0 = arith.constant 0 : i32
    %c0_i32_1 = arith.constant 0 : i32
    return %arg0, %c0_i32, %c0_i32_0 : i32, i32, i32
  }
}

</mosaic_0001>

<sc_bundles>
// kernel: kernel.4.cloned.1.call-start
scs
__scs_entry_jumppad:
0x0: {  	(pc) =	sbr.rel $0x88, $3  }
0x1: {  	(tag) =	ssettag $0x0;
	lr =	simm.s32 $0x1  }
0x2: {  	[smem:$0x3F9E] =	sst lr;
	_ =	strace $0xD0000000  }
0x3: {  	_ = 	snop  }
0x4: {  	_ = 	snop  }
0x5: {  	_ = 	snop  }
0x6: {  	_ = 	snop  }
0x7: {  	_ = 	snop  }
__scs_overlays_trampoline_lowered:
0x8: {  	[smem:$0x3FAD] =	sst s0  }
0x9: {  	[smem:$0x3FAE] =	sst s1  }
0xa: {  	[smem:$0x3FAF] =	sst s2  }
0xb: {  	[smem:$0x3FB0] =	sst s3  }
0xc: {  	[smem:$0x3FB1] =	sst s4  }
0xd: {  	[smem:$0x3FB2] =	sst s5  }
0xe: {  	[smem:$0x3FB3] =	sst s6  }
0xf: {  	[smem:$0x3FB4] =	sst s7  }
0x10: {  	[smem:$0x3FB5] =	sst s8  }
0x11: {  	[smem:$0x3FB6] =	sst s9;
	s0 =	simm.s32 @!p0 $0x0  }
0x12: {  	s1 =	sld [smem:$0x3F9C];
	s0 =	simm.s32 @p0 $0x1  }
0x13: {  	[smem:$0x3FB7] =	sst s0;
	s0 =	simm.s32 @!p1 $0x0  }
0x14: {  	s2 =	sld [smem:$0x3F9B];
	s0 =	simm.s32 @p1 $0x1  }
0x15: {  	[smem:$0x3FB8] =	sst s0;
	s0 =	simm.s32 @!p2 $0x0  }
0x16: {  	s3 =	sld [smem:$0x3FDB];
	s0 =	simm.s32 @p2 $0x1  }
0x17: {  	s4 =	simm.s32 $0x1BF5;
	[smem:$0x3FBA] =	sst s0  }
0x18: {  	s0 =	sld [smem:$0x3F9D];
	_ =	swait.ge [sflag:s4], $0x0  }
0x19: {  	s7 =	sld [smem:$0x3F9E]  }
0x1a: {  	s8 =	sadd.s32 $0xFFFFE003, lr  }
0x1b: {  	s9 =	sadd.s32 $0xFFFFFEF7, lr;
	s5 =	simm.s32 $0xFFFFFFFF;
	p2 =	slt.u32 s8, $0xFFFFF086  }
0x1c: {  	p1 =	slt.u32 s9, $0xF7A;
	s5 =	simm.s32 @!p2 $0x0  }
0x1d: {  	s5 =	simm.s32 @p1 $0x1;
	p0 =	seq.s32 s7, s2  }
0x1e: {  	s7 =	smul.u32 @!p0 $0xF7A, s2;
	p2 =	seq.s32 @!p0 s5, $0x0  }
0x1f: {  	s9 =	smul.u32 $0xF7A, s1;
	s8 =	simm.s32 @!p0 $0x1BF5;
	p2 =	por !p2, p0  }
0x20: {  	[sflag:s8] =	ssyncset.s32 @!p0 $0xFFFFF086;
	s6 =	sadd.s32 @!p0 s3, s7;
	s7 =	simm.s32 @!p0 $0x108  }
0x21: {  	s3 =	sadd.s32 s3, s9;
	s6 =	sadd.s32 @!p0 $0x88, s6;
	s7 =	simm.s32 @p2 $0x1082  }
0x22: {  	[simem:s7], [sflag:s8] =	dma.local @!p0 [hbm:s6], $0xF7A  }
0x23: {  	s9 =	sor.u32 $0xD0000000, s2;
	s6 =	simm.s32 $0x108;
	_ =	swait.ge @!p0 [sflag:s8], $0x0  }
0x24: {  	s3 =	sadd.s32 $0x88, s3;
	s6 =	simm.s32 @!p1 $0x1082;
	[sflag:s4] =	ssyncset.s32 $0xFFFFF086  }
0x25: {  	[simem:s6], [sflag:s4] =	dma.local [hbm:s3], $0xF7A  }
0x26: {  	[smem:$0x3F9E] =	sst s1;
	(tag) =	ssettag s2;
	_ =	strace s9  }
0x27: {  	s1 =	sld [smem:$0x3FAE]  }
0x28: {  	s2 =	sld [smem:$0x3FAF]  }
0x29: {  	s4 =	sld [smem:$0x3FB1]  }
0x2a: {  	p0 =	seq.s32 s5, $0x0;
	s5 =	sld [smem:$0x3FB2]  }
0x2b: {  	s6 =	sld [smem:$0x3FB3]  }
0x2c: {  	s7 =	sld [smem:$0x3FB4]  }
0x2d: {  	s3 =	simm.s32 $0x108;
	s8 =	sld [smem:$0x3FB5]  }
0x2e: {  	s3 =	simm.s32 @!p0 $0x1082;
	s9 =	sld [smem:$0x3FB6]  }
0x2f: {  	lr =	sadd.s32 s0, s3;
	s0 =	sld [smem:$0x3FAD]  }
0x30: {  	s3 =	sld [smem:$0x3FB0]  }
0x31: {  	[smem:$0x3FB9] =	sst s10  }
0x32: {  	s10 =	sld [smem:$0x3FB7];
	_ =	sdelay $0x3  }
0x33: {  	p0 =	seq.s32 s10, $0x1;
	s10 =	sld [smem:$0x3FB9];
	_ =	sdelay $0x3  }
0x34: {  	[smem:$0x3FB9] =	sst s10  }
0x35: {  	s10 =	sld [smem:$0x3FB8];
	_ =	sdelay $0x3  }
0x36: {  	p1 =	seq.s32 s10, $0x1;
	s10 =	sld [smem:$0x3FB9];
	_ =	sdelay $0x3  }
0x37: {  	[smem:$0x3FB9] =	sst s10  }
0x38: {  	s10 =	sld [smem:$0x3FBA]  }
0x39: {  	_ = 	snop;
	(pc) =	sbr.ind lr, $3  }
0x3a: {  	_ = 	snop  }
0x3b: {  	_ = 	snop  }
0x3c: {  	p2 =	seq.s32 s10, $0x1;
	s10 =	sld [smem:$0x3FB9]  }
0x3d: {  	_ =	shalt  }
0x3e: {  	_ =	shalt  }
0x3f: {  	_ =	shalt  }
0x40: {  	_ =	shalt  }
0x41: {  	_ =	shalt  }
0x42: {  	_ =	shalt  }
0x43: {  	_ =	shalt  }
0x44: {  	_ =	shalt  }
0x45: {  	_ =	shalt  }
0x46: {  	_ =	shalt  }
0x47: {  	_ =	shalt  }
0x48: {  	_ =	shalt  }
0x49: {  	_ =	shalt  }
0x4a: {  	_ =	shalt  }
0x4b: {  	_ =	shalt  }
0x4c: {  	_ =	shalt  }
0x4d: {  	_ =	shalt  }
0x4e: {  	_ =	shalt  }
0x4f: {  	_ =	shalt  }
0x50: {  	_ =	shalt  }
0x51: {  	_ =	shalt  }
0x52: {  	_ =	shalt  }
0x53: {  	_ =	shalt  }
0x54: {  	_ =	shalt  }
0x55: {  	_ =	shalt  }
0x56: {  	_ =	shalt  }
0x57: {  	_ =	shalt  }
0x58: {  	_ =	shalt  }
0x59: {  	_ =	shalt  }
0x5a: {  	_ =	shalt  }
0x5b: {  	_ =	shalt  }
0x5c: {  	_ =	shalt  }
0x5d: {  	_ =	shalt  }
0x5e: {  	_ =	shalt  }
0x5f: {  	_ =	shalt  }
0x60: {  	_ =	shalt  }
0x61: {  	_ =	shalt  }
0x62: {  	_ =	shalt  }
0x63: {  	_ =	shalt  }
0x64: {  	_ =	shalt  }
0x65: {  	_ =	shalt  }
0x66: {  	_ =	shalt  }
0x67: {  	_ =	shalt  }
0x68: {  	_ =	shalt  }
0x69: {  	_ =	shalt  }
0x6a: {  	_ =	shalt  }
0x6b: {  	_ =	shalt  }
0x6c: {  	_ =	shalt  }
0x6d: {  	_ =	shalt  }
0x6e: {  	_ =	shalt  }
0x6f: {  	_ =	shalt  }
0x70: {  	_ =	shalt  }
0x71: {  	_ =	shalt  }
0x72: {  	_ =	shalt  }
0x73: {  	_ =	shalt  }
0x74: {  	_ =	shalt  }
0x75: {  	_ =	shalt  }
0x76: {  	_ =	shalt  }
0x77: {  	_ =	shalt  }
0x78: {  	_ =	shalt  }
0x79: {  	_ =	shalt  }
0x7a: {  	_ =	shalt  }
0x7b: {  	_ =	shalt  }
0x7c: {  	_ =	shalt  }
0x7d: {  	_ =	shalt  }
0x7e: {  	_ =	shalt  }
0x7f: {  	_ =	shalt  }
0x80: {  	_ =	shalt  }
0x81: {  	_ =	shalt  }
0x82: {  	_ =	shalt  }
0x83: {  	_ =	shalt  }
0x84: {  	_ =	shalt  }
0x85: {  	_ =	shalt  }
0x86: {  	_ =	shalt  }
0x87: {  	_ =	shalt  }
.Lfunc_end0:
.L_simem_size_0:
called_computation_lowered:
.L_overlay_start_0:
0x88: {  	s2 =	sld [smem:$0x3FD9]  }
0x89: {  	s3 =	sld [smem:$0x3FFE];
	_ =	sdelay $0x1  }
0x8a: {  	s1 =	srdreg.scid  }
0x8b: {  	s0 =	sand.u32 $0x1, s1  }
0x8c: {  	s14 =	sshll.u32 s0, $0xA;
	s2 =	sadd.s32 s3, s2  }
0x8d: {  	s2 =	sadd.s32 s2, s14  }
0x8e: {  	[smem:$0x3FC5] =	sst s2  }
0x8f: {  	_ = 	snop  }
0x90: {  	s2 =	sld [smem:$0x3FD0];
	_ =	sdelay $0x2  }
0x91: {  	s4 =	simm.s32 $0xA;
	s5 =	simm.s32 $0x10;
	s15 =	sld [smem:$0x3FC7]  }
0x92: {  	[smem:s5], [sflag:s4] =	dma.local [hbm:s2], $0x1  }
0x93: {  	_ =	swait.eq [sflag:s4], $0x1  }
0x94: {  	[sflag:s4] =	ssyncset.done $0x0  }
0x95: {  	s16 =	sld [smem:$0x10];
	[sflag:s4] =	ssyncadd.s32 $0xFFFFFFFF  }
0x96: {  	s17 =	sld [smem:$0x11];
	(tm) =	ssettm $0x1  }
0x97: {  	s18 =	sld [smem:$0x3FFB];
	_ =	sdelay $0x3  }
0x98: {  	_ =	strace s18  }
0x99: {  	s5 =	sld [smem:$0x3FFC];
	_ =	sdelay $0x3  }
0x9a: {  	_ =	strace s5  }
0x9b: {  	s5 =	sld [smem:$0x3FFD];
	_ =	sdelay $0x3  }
0x9c: {  	_ =	strace s5  }
0x9d: {  	_ =	strace $0x8FFFFFFF  }
0x9e: {  	s19 =	sld [smem:$0x3FDB];
	_ =	sdelay $0x1  }
0x9f: {  	s6 =	simm.s32 $_scs_section_size  }
0xa0: {  	s7 =	simm.s32 $_size__tile_overlayer_lowered;
	s8 =	simm.s32 $_tile_overlayer_lowered  }
0xa1: {  	s22 =	simm.s32 $0x1BFF;
	s21 =	sshll.u32 s8, $0x1;
	s5 =	sadd.s32 s6, s19  }
0xa2: {  	s9 =	simm.s32 $0x0;
	s20 =	sshll.u32 s7, $0x1;
	s7 =	sadd.s32 s21, s5  }
0xa3: {  	[timem:s9], [sflag:s22] =	dma.local [hbm:s7], s20  }
0xa4: {  	_ =	swait.ge [sflag:s22], s20  }
0xa5: {  	s6 =	ssub.s32 $0x0, s20;
	[sflag:s22] =	ssyncset.done $0x0  }
0xa6: {  	[sflag:s22] =	ssyncadd.s32 s6;
	_ =	sdelay $0x1  }
0xa7: {  	s23 =	simm.s32 $0x1B8B  }
0xa8: {  	_ =	swait.ge [sflag:s23], $0x1  }
0xa9: {  	[sflag:s23] =	ssyncset.done $0x0  }
0xaa: {  	s25 =	simm.s32 $0x1B8E;
	s24 =	sld [smem:$0x3FFE];
	[sflag:s23] =	ssyncadd.s32 $0xFFFFFFFF  }
0xab: {  	s26 =	simm.s32 $execute0_lowered;
	[smem:$0x3FD2] =	sst s25  }
0xac: {  	s7 =	sshll.u32 s26, $0x1;
	_ =	strace $0x80000046;
	[dreg:$0x1] =	wrdreg $0xFFFFFFFF  }
0xad: {  	s28 =	simm.s32 $_size_execute0_lowered;
	s5 =	sadd.s32 s5, s7;
	[dreg:$0x0] =	wrdreg $0x0  }
0xae: {  	s7 =	sshll.u32 s28, $0x1;
	[dreg:$0x2] =	wrdreg s5  }
0xaf: {  	[dreg:$0x3] =	wrdreg s7  }
0xb0: {  	[dreg:$0x4] =	wrdreg $0xC0  }
0xb1: {  	_ =	task [dreg:s9], $0x5FFFF  }
0xb2: {  	[dreg:$0x1] =	wrdreg $0xFFFFFFFF  }
0xb3: {  	[dreg:$0x0] =	wrdreg $0x60  }
0xb4: {  	[dreg:$0x2] =	wrdreg s24  }
0xb5: {  	[dreg:$0x3] =	wrdreg s15  }
0xb6: {  	[dreg:$0x4] =	wrdreg s16  }
0xb7: {  	[dreg:$0x5] =	wrdreg s17  }
0xb8: {  	[dreg:$0x6] =	wrdreg $0x9  }
0xb9: {  	_ =	task.clear_ibuf [dreg:s9], $0x7FFFF;
	_ =	strace $0x90000046  }
0xba: {  	s29 =	simm.s32 $0x9;
	_ =	strace $0x80000048  }
0xbb: {  	_ =	swait.ge [sflag:s29], $0x1  }
0xbc: {  	[sflag:s29] =	ssyncadd.s32 $0xFFFFFFFF  }
0xbd: {  	_ =	strace $0x90000048  }
0xbe: {  	_ =	sfence  }
0xbf: {  	s30 =	sld [smem:$0x0];
	_ =	sdelay $0x2  }
0xc0: {  	s31 =	sshll.u32 s1, $0xD;
	s1 =	sshrl.u32 s1, $0x2  }
0xc1: {  	s3 =	sand.u32 $0x4000, s31;
	s1 =	sadd.s32 s1, s30  }
0xc2: {  	s0 =	sor.u32 s3, s0;
	s1 =	sshll.u32 s1, $0x11  }
0xc3: {  	s0 =	sor.u32 s1, s0  }
0xc4: {  	s0 =	sadd.s32 $0x8F2B, s0  }
0xc5: {  	[sflag:s0] =	ssyncadd.remote.s32 $0x1  }
0xc6: {  	_ =	sfence.sel $0xFFFF  }
0xc7: {  	[dreg:$0x0] =	wrdreg $0xFFFFFFFF;
	(pc) =	sbr.abs _section_cstart, $3  }
0xc8: {  	[dreg:$0x1] =	wrdreg $0xFFFFFFFF  }
0xc9: {  	_ =	task.clear_ibuf [dreg:s9], $0x2FFFF;
	_ =	strace $0x9FFFFFFF  }
0xca: {  	(tm) =	ssettm $0x7FFFFFFF  }
0xcb: {  	_ =	shalt  }
tec
execute0_lowered:
.L_overlay_start_1:
0x0: {  	(tag) =	ssettag $0x1  }
0x1: {  	s4 =	rddreg [dreg:$0x0]  }
0x2: {  	s1 =	rddreg [dreg:$0x1]  }
0x3: {  	s6 =	rddreg [dreg:$0x2]  }
0x4: {  	s8 =	rddreg [dreg:$0x3]  }
0x5: {  	s0 =	rddreg [dreg:$0x4];
	s5 =	srdreg.scid  }
0x6: {  	s2 =	stileid.u32;
	s3 =	simm.s32 $0x0;
	s12 =	simm.s32 $0x2000  }
0x7: {  	s13 =	simm.s32 $0x80;
	s14 =	simm.s32 $0x100;
	s15 =	simm.s32 $0x2080  }
0x8: {  	s16 =	simm.s32 $0x2280;
	s17 =	simm.s32 $0x2480;
	s18 =	simm.s32 $0x2680  }
0x9: {  	s19 =	simm.s32 $0x2880;
	s5 =	sand.u32 $0x1, s5;
	s7 =	sshll.u32 s2, $0x1  }
0xa: {  	s20 =	simm.s32 $0x0;
	[smem:$0x7FF] =	sst s3;
	s7 =	sor.u32 s5, s7  }
0xb: {  	_ =	strace $0x80000047;
	s5 =	ssub.s32 $0x2, s5;
	s9 =	sshll.u32 s7, $0xA  }
0xc: {  	s10 =	sshll.u32 s7, $0x8;
	s11 =	sshrl.u32 s5, $0x1;
	s7 =	sshll.u32 s7, $0x7  }
0xd: {  	s9 =	sadd.s32 s9, s4;
	s10 =	sadd.s32 s10, s4;
	s11 =	ssub.s32 s5, s11  }
0xe: {  	s5 =	sadd.s32 s6, s7;
	s31 =	sor.u32 $0x10, s7;
	s7 =	sadd.s32 s8, s7  }
0xf: {  	s4 =	sadd.s32 $0x200, s9;
	s6 =	sadd.s32 s6, s31;
	s8 =	sadd.s32 s8, s31  }
0x10: {  	v0 =	vimm.s32 $0x0;
	s9 =	sadd.s32 $0x8200, s10;
	s10 =	smax.u32 s11, $0x1;
	s11 =	simm.s32 $0x1  }
.LBB2_1:
0x11: {  	[tilespmem:s3], [sflag:$0x1] =	stream.linear.gather [hbm4b:s4+s3], $0x2000, $0x38;
	[tilespmem:$0x3080] =	vst v63  }
0x12: {  	_ =	swait.ge [sflag:s11], $0x2000  }
0x13: {  	[sflag:s11] =	ssyncset.done $0x0  }
0x14: {  	[sflag:s11] =	ssyncadd.s32 $0xFFFFE000  }
0x15: {  	[tilespmem:s12], [sflag:$0x1] =	stream.linear.gather [hbm4b:s1+s3], $0x80, $0x38;
	[tilespmem:$0x3080] =	vst v63  }
0x16: {  	_ =	swait.ge [sflag:s11], $0x80  }
0x17: {  	[sflag:s11] =	ssyncset.done $0x0  }
0x18: {  	s21 =	sand.u32 $0x70, s3;
	s22 =	sand.u32 $0xC00, s3;
	[sflag:s11] =	ssyncadd.s32 $0xFFFFFF80  }
0x19: {  	s21 =	sor.u32 s21, s22;
	v2 =	vld [tilespmem:$0x2000]  }
0x1a: {  	v25 =	vld [tilespmem:s21+$0x0]  }
0x1b: {  	v24 =	vld [tilespmem:s21+$0x80];
	_ =	sdelay $0x1  }
0x1c: {  	v23 =	vld [tilespmem:s21+$0x100]  }
0x1d: {  	v1 =	vbroadcast v2, $0x0;
	v3 =	vbroadcast v2, $0x1  }
0x1e: {  	v18 =	vld [tilespmem:s21+$0x180]  }
0x1f: {  	v4 =	vbroadcast v2, $0x2;
	v28 =	vadd.f32 v25, v1;
	v30 =	vadd.f32 v24, v3  }
0x20: {  	v19 =	vld [tilespmem:s21+$0x200]  }
0x21: {  	[tilespmem:$0x1FFA0] =	vst v3;
	v3 =	vbroadcast v2, $0x3;
	v31 =	vadd.f32 v23, v4;
	vm0 =	vgt.f32 v30, v28  }
0x22: {  	[tilespmem:$0x1FF90] =	vst v1;
	v1 =	vld [tilespmem:s21+$0x280];
	v6 =	vsel vm0, v30, v28  }
0x23: {  	v61 =	vbroadcast v2, $0x4;
	v32 =	vadd.f32 v18, v3;
	vm1 =	vgt.f32 v31, v6  }
0x24: {  	v20 =	vld [tilespmem:s21+$0x300];
	v7 =	vsel vm1, v31, v6  }
0x25: {  	v34 =	vadd.f32 v19, v61;
	[tilespmem:$0x1FFC0] =	vst v3;
	v3 =	vbroadcast v2, $0x5;
	vm2 =	vgt.f32 v32, v7  }
0x26: {  	v21 =	vld [tilespmem:s21+$0x380];
	v62 =	vsel vm2, v32, v7  }
0x27: {  	v5 =	vbroadcast v2, $0x6;
	v44 =	vadd.f32 v1, v3;
	vm3 =	vgt.f32 v34, v62  }
0x28: {  	v22 =	vld [tilespmem:s21+$0x1000];
	v9 =	vsel vm3, v34, v62  }
0x29: {  	v45 =	vadd.f32 v20, v5;
	[tilespmem:$0x1FFE0] =	vst v3;
	v3 =	vbroadcast v2, $0x7;
	vm4 =	vgt.f32 v44, v9  }
0x2a: {  	v26 =	vld [tilespmem:s21+$0x1080];
	v10 =	vsel vm4, v44, v9  }
0x2b: {  	v63 =	vbroadcast v2, $0x8;
	v46 =	vadd.f32 v21, v3;
	vm5 =	vgt.f32 v45, v10  }
0x2c: {  	v33 =	vld [tilespmem:s21+$0x1100];
	v11 =	vsel vm5, v45, v10  }
0x2d: {  	v35 =	vld [tilespmem:s21+$0x1180];
	v47 =	vadd.f32 v22, v63;
	v10 =	vbroadcast v2, $0x9;
	vm6 =	vgt.f32 v46, v11  }
0x2e: {  	v13 =	vsel vm6, v46, v11  }
0x2f: {  	v11 =	vbroadcast v2, $0xA;
	v27 =	vadd.f32 v26, v10;
	vm7 =	vgt.f32 v47, v13  }
0x30: {  	v36 =	vld [tilespmem:s21+$0x1200];
	v12 =	vbroadcast v2, $0xB;
	v14 =	vsel vm0, $0x1, v0;
	v15 =	vsel vm7, v47, v13  }
0x31: {  	v37 =	vld [tilespmem:s21+$0x1280];
	v14 =	vsel vm1, $0x2, v14;
	v29 =	vadd.f32 v33, v11;
	vm8 =	vgt.f32 v27, v15  }
0x32: {  	v43 =	vadd.f32 v35, v12;
	v14 =	vsel vm2, $0x3, v14;
	v15 =	vsel vm8, v27, v15  }
0x33: {  	v16 =	vsel vm3, $0x4, v14;
	v13 =	vbroadcast v2, $0xC;
	vm9 =	vgt.f32 v29, v15  }
0x34: {  	v38 =	vld [tilespmem:s21+$0x1300];
	v14 =	vbroadcast v2, $0xD;
	v16 =	vsel vm4, $0x5, v16;
	v17 =	vsel vm9, v29, v15  }
0x35: {  	v16 =	vsel vm5, $0x6, v16;
	v42 =	vadd.f32 v36, v13;
	vm10 =	vgt.f32 v43, v17  }
0x36: {  	v39 =	vld [tilespmem:s21+$0x1380];
	v41 =	vadd.f32 v37, v14;
	v16 =	vsel vm6, $0x7, v16;
	v40 =	vsel vm10, v43, v17  }
0x37: {  	v16 =	vsel vm7, $0x8, v16;
	v15 =	vbroadcast v2, $0xE;
	vm11 =	vgt.f32 v42, v40  }
0x38: {  	v17 =	vbroadcast v2, $0xF;
	v2 =	vsel vm8, $0x9, v16;
	v16 =	vsel vm11, v42, v40  }
0x39: {  	[tilespmem:$0x1FFB0] =	vst v4;
	v4 =	vsel vm9, $0xA, v2;
	v2 =	vadd.f32 v38, v15;
	vm12 =	vgt.f32 v41, v16  }
0x3a: {  	vm14 =	vlt.f32 v28, $-Inf;
	v40 =	vsel vm10, $0xB, v4;
	v16 =	vsel vm12, v41, v16  }
0x3b: {  	[tilespmem:$0x1FFF0] =	vst v5;
	v5 =	vadd.f32 v39, v17;
	v48 =	vsel vm11, $0xC, v40;
	vm13 =	vgt.f32 v2, v16  }
0x3c: {  	v49 =	vsel vm0, v24, v25;
	v48 =	vsel vm12, $0xD, v48;
	v16 =	vsel vm13, v2, v16  }
0x3d: {  	v49 =	vsel vm1, v23, v49;
	v48 =	vsel vm13, $0xE, v48;
	vm0 =	vgt.f32 v5, v16  }
0x3e: {  	vm1 =	vgt.f32 v28, $-Inf;
	v52 =	vsel vm2, v18, v49;
	v16 =	vsel vm0, $0xF, v48  }
0x3f: {  	vm1 =	vmor vm1, vm14;
	v48 =	vsel vm3, v19, v52;
	vm2 =	vne.s32 v16, $0x0  }
0x40: {  	v48 =	vsel vm4, v1, v48;
	vm15 =	veq.s32 v16, $0x0;
	vm14 =	vmand vm1, vm2  }
0x41: {  	v48 =	vsel vm5, v20, v48;
	vm1 =	vne.s32 v16, $0x1;
	v28 =	vnsel vm14, $0xFF800000, v28  }
0x42: {  	v48 =	vsel vm6, v21, v48;
	v25 =	vnsel vm14, $0x0, v25;
	vm6 =	vne.s32 v16, $0x5  }
0x43: {  	vm14 =	veq.s32 v16, $0xF;
	vm2 =	vgt.f32 v30, v28;
	v48 =	vsel vm7, v22, v48  }
0x44: {  	vm7 =	veq.s32 v16, $0xB;
	v55 =	vsel vm14, $0x1, v0;
	vm1 =	vmand vm1, vm2  }
0x45: {  	vm14 =	veq.s32 v16, $0xD;
	vm2 =	vne.s32 v16, $0x2;
	v28 =	vsel vm1, v30, v28  }
0x46: {  	v30 =	vsel vm8, v26, v48;
	vm8 =	veq.s32 v16, $0x9;
	vm3 =	vgt.f32 v31, v28  }
0x47: {  	[tilespmem:$0x1FFD0] =	vst v61;
	v24 =	vsel vm1, v24, v25;
	v61 =	vsel vm1, $0x1, v0;
	vm2 =	vmand vm2, vm3  }
0x48: {  	vm1 =	vne.s32 v16, $0xB;
	v30 =	vsel vm9, v33, v30;
	v28 =	vsel vm2, v31, v28  }
0x49: {  	v60 =	vsel vm8, $0x1, v0;
	vm3 =	vne.s32 v16, $0x3;
	vm4 =	vgt.f32 v32, v28  }
0x4a: {  	v30 =	vsel vm10, v35, v30;
	vm10 =	veq.s32 v16, $0x5;
	vm3 =	vmand vm3, vm4  }
0x4b: {  	v30 =	vsel vm11, v36, v30;
	vm11 =	veq.s32 v16, $0xC;
	v28 =	vsel vm3, v32, v28  }
0x4c: {  	v31 =	vsel vm7, $0x1, v0;
	vm4 =	vne.s32 v16, $0x4;
	vm5 =	vgt.f32 v34, v28  }
0x4d: {  	vm7 =	veq.s32 v16, $0xE;
	v23 =	vsel vm2, v23, v24;
	vm4 =	vmand vm4, vm5  }
0x4e: {  	v58 =	vsel vm10, $0x1, v0;
	v62 =	vsel vm2, $0x2, v61;
	v28 =	vsel vm4, v34, v28  }
0x4f: {  	v30 =	vsel vm12, v37, v30;
	v54 =	vsel vm7, $0x1, v0;
	vm9 =	vgt.f32 v44, v28  }
0x50: {  	v59 =	vsel vm11, $0x1, v0;
	v30 =	vsel vm13, v38, v30;
	vm6 =	vmand vm6, vm9  }
0x51: {  	vm13 =	veq.s32 v16, $0x4;
	v53 =	vsel vm0, v39, v30;
	v28 =	vsel vm6, v44, v28  }
0x52: {  	vm0 =	veq.s32 v16, $0x7;
	vm9 =	vne.s32 v16, $0x6;
	vm12 =	vgt.f32 v45, v28  }
0x53: {  	v30 =	vsel vm13, $0x1, v0;
	v18 =	vsel vm3, v18, v23;
	vm7 =	vmand vm9, vm12  }
0x54: {  	v8 =	vmovc v63;
	v32 =	vadd.s32 v59, v0;
	v63 =	vsel vm3, $0x3, v62;
	v25 =	vsel vm7, v45, v28  }
0x55: {  	vm9 =	veq.s32 v16, $0xA;
	vm12 =	vne.s32 v16, $0x7;
	vm13 =	vgt.f32 v46, v25  }
0x56: {  	vm3 =	vne.s32 v16, $0xE;
	v28 =	vsel vm9, $0x1, v0;
	vm9 =	vmand vm12, vm13  }
0x57: {  	v56 =	vsel vm0, $0x1, v0;
	vm5 =	veq.s32 v16, $0x8;
	v25 =	vsel vm9, v46, v25  }
0x58: {  	v24 =	vsel vm5, $0x1, v0;
	vm12 =	vne.s32 v16, $0x8;
	vm13 =	vgt.f32 v47, v25  }
0x59: {  	vm5 =	veq.s32 v16, $0x3;
	v18 =	vsel vm4, v19, v18;
	vm12 =	vmand vm12, vm13  }
0x5a: {  	v23 =	vsel vm5, $0x1, v0;
	vm5 =	veq.s32 v16, $0x6;
	v19 =	vsel vm12, v47, v25  }
0x5b: {  	v25 =	vsel vm5, $0x1, v0;
	vm5 =	vne.s32 v16, $0x9;
	vm13 =	vgt.f32 v27, v19  }
0x5c: {  	vm0 =	vne.s32 v16, $0xA;
	v30 =	vadd.s32 v30, v0;
	vm13 =	vmand vm5, vm13  }
0x5d: {  	v34 =	vadd.s32 v56, v0;
	v24 =	vadd.s32 v24, v0;
	v57 =	vsel vm13, v27, v19  }
0x5e: {  	v1 =	vsel vm6, v1, v18;
	v27 =	vsel vm14, $0x1, v0;
	vm14 =	vgt.f32 v29, v57  }
0x5f: {  	v44 =	vsel vm4, $0x4, v63;
	vm4 =	vne.s32 v16, $0xC;
	vm14 =	vmand vm0, vm14  }
0x60: {  	v44 =	vsel vm6, $0x5, v44;
	vm6 =	vne.s32 v16, $0xD;
	v45 =	vsel vm14, v29, v57  }
0x61: {  	v1 =	vsel vm7, v20, v1;
	v20 =	vsel vm7, $0x6, v44;
	vm2 =	vgt.f32 v43, v45  }
0x62: {  	v1 =	vsel vm9, v21, v1;
	v20 =	vsel vm9, $0x7, v20;
	vm2 =	vmand vm1, vm2  }
0x63: {  	v1 =	vsel vm12, v22, v1;
	v20 =	vsel vm12, $0x8, v20;
	v43 =	vsel vm2, v43, v45  }
0x64: {  	v22 =	vimm.s32 $0x0;
	v18 =	vadd.s32 v25, v0;
	vm8 =	vgt.f32 v42, v43  }
0x65: {  	v25 =	vadd.s32 v55, v0;
	vm5 =	veq.s32 v16, $0x2;
	vm4 =	vmand vm4, vm8  }
0x66: {  	v19 =	vadd.s32 v23, v0;
	v1 =	vsel vm13, v26, v1;
	v42 =	vsel vm4, v42, v43  }
0x67: {  	v20 =	vsel vm13, $0x9, v20;
	v23 =	vadd.s32 v27, v0;
	vm7 =	vgt.f32 v41, v42  }
0x68: {  	v27 =	vadd.s32 v28, v0;
	v28 =	vadd.s32 v31, v0;
	vm6 =	vmand vm6, vm7  }
0x69: {  	v31 =	vadd.s32 v54, v0;
	v29 =	vadd.s32 v58, v0;
	v21 =	vsel vm6, v41, v42  }
0x6a: {  	v1 =	vsel vm14, v33, v1;
	v20 =	vsel vm14, $0xA, v20;
	vm7 =	vgt.f32 v2, v21  }
0x6b: {  	v1 =	vsel vm2, v35, v1;
	v20 =	vsel vm2, $0xB, v20;
	vm2 =	vmand vm3, vm7  }
0x6c: {  	vm1 =	vne.s32 v16, $0xF;
	v20 =	vsel vm4, $0xC, v20;
	v2 =	vsel vm2, v2, v21  }
0x6d: {  	v1 =	vsel vm4, v36, v1;
	v20 =	vsel vm6, $0xD, v20;
	vm3 =	vgt.f32 v5, v2  }
0x6e: {  	v1 =	vsel vm6, v37, v1;
	v2 =	vsel vm2, $0xE, v20;
	vm1 =	vmand vm1, vm3  }
0x6f: {  	v1 =	vsel vm2, v38, v1;
	v21 =	vimm.s32 $0x0;
	v33 =	vsel vm1, $0xF, v2  }
0x70: {  	s29 =	simm.s32 $0x10;
	s23 =	simm.s32 $0x80;
	s24 =	simm.s32 $0x2080;
	[tilespmem:s15+$0x0] =	vst v53;
	v20 =	vsel vm1, v39, v1;
	v1 =	vadd.s32 v60, v0;
	vm3 =	veq.s32 v33, $0x0  }
0x71: {  	s25 =	simm.s32 $0x2280;
	s22 =	simm.s32 $0x2480;
	s21 =	simm.s32 $0x2680;
	v9 =	vmovc v3;
	vm1 =	veq.s32 v33, $0x1;
	vm2 =	veq.s32 v33, $0x2;
	[tilespmem:s16+$0x0] =	vst v20;
	v20 =	vimm.s32 $0x0  }
.LBB2_2:
0x72: {  	s28 =	sand.u32 $0x70, s29;
	s30 =	sand.u32 $0xC00, s23;
	[tilespmem:s22+$0x0] =	vst v16  }
0x73: {  	v3 =	vld [tilespmem:$0x1FFB0];
	s28 =	sor.u32 s28, s30;
	[tilespmem:s21+$0x0] =	vst v33  }
0x74: {  	v52 =	vld [tilespmem:s28+$0x100];
	_ =	sdelay $0x2  }
0x75: {  	v57 =	vld [tilespmem:s28+$0x0]  }
0x76: {  	v50 =	vld [tilespmem:s28+$0x180]  }
0x77: {  	vm4 =	vmmov vm5;
	vm5 =	veq.s32 v33, $0x6;
	v63 =	vadd.f32 v52, v3;
	v3 =	vld [tilespmem:$0x1FFC0]  }
0x78: {  	vm10 =	veq.s32 v33, $0x8;
	v47 =	vsel vm5, $0x1, v0;
	vm5 =	veq.s32 v33, $0x9;
	v54 =	vld [tilespmem:s28+$0x80]  }
0x79: {  	v42 =	vsel vm10, $0x1, v0;
	vm10 =	veq.s32 v33, $0xC;
	v2 =	vsel vm5, $0x1, v0;
	v48 =	vld [tilespmem:s28+$0x200]  }
0x7a: {  	v26 =	vadd.s32 v2, v1;
	v1 =	vsel vm10, $0x1, v0;
	v2 =	vld [tilespmem:$0x1FF90]  }
0x7b: {  	v32 =	vadd.s32 v1, v32;
	v1 =	vld [tilespmem:$0x1FFA0]  }
0x7c: {  	v62 =	vadd.f32 v50, v3;
	v3 =	vld [tilespmem:$0x1FFD0]  }
0x7d: {  	vm6 =	veq.s32 v33, $0x3;
	vm8 =	veq.s32 v33, $0x4;
	vm7 =	veq.s32 v33, $0x7  }
0x7e: {  	vm9 =	veq.s32 v33, $0x5;
	vm11 =	veq.s32 v33, $0xE;
	v35 =	vsel vm7, $0x1, v0  }
0x7f: {  	vm7 =	veq.s32 v33, $0xA;
	v41 =	vsel vm9, $0x1, v0;
	vm9 =	veq.s32 v33, $0xD  }
0x80: {  	v36 =	vsel vm11, $0x1, v0;
	v37 =	vsel vm8, $0x1, v0;
	v46 =	vld [tilespmem:s28+$0x280];
	v2 =	vadd.f32 v57, v2  }
0x81: {  	vm5 =	veq.s32 v33, $0xB;
	v1 =	vadd.f32 v54, v1;
	v61 =	vadd.f32 v48, v3;
	v3 =	vld [tilespmem:$0x1FFE0]  }
0x82: {  	v43 =	vsel vm9, $0x1, v0;
	v31 =	vadd.s32 v36, v31;
	vm9 =	veq.s32 v33, $0xF  }
0x83: {  	v34 =	vadd.s32 v35, v34;
	v58 =	vsel vm5, $0x1, v0;
	vm10 =	vgt.f32 v1, v2  }
0x84: {  	vm5 =	vlt.f32 v2, $-Inf;
	vm8 =	vgt.f32 v2, $-Inf;
	v38 =	vsel vm10, v1, v2  }
0x85: {  	v33 =	vld [tilespmem:s28+$0x300];
	vm5 =	vmor vm8, vm5;
	v39 =	vsel vm10, v54, v57;
	vm8 =	vgt.f32 v63, v38  }
0x86: {  	v59 =	vsel vm10, $0x1, v0;
	v38 =	vsel vm8, v63, v38;
	v60 =	vadd.f32 v46, v3;
	v3 =	vld [tilespmem:$0x1FFF0]  }
0x87: {  	v35 =	vld [tilespmem:s28+$0x380];
	v39 =	vsel vm8, v52, v39;
	v40 =	vsel vm8, $0x2, v59;
	vm8 =	vgt.f32 v62, v38  }
0x88: {  	v36 =	vld [tilespmem:s28+$0x1000];
	v30 =	vadd.s32 v37, v30;
	v49 =	vsel vm7, $0x1, v0;
	v38 =	vsel vm8, v62, v38  }
0x89: {  	v39 =	vsel vm8, v50, v39;
	v40 =	vsel vm8, $0x3, v40;
	vm8 =	vgt.f32 v61, v38  }
0x8a: {  	v29 =	vadd.s32 v41, v29;
	v38 =	vsel vm8, v61, v38;
	v39 =	vsel vm8, v48, v39  }
0x8b: {  	v37 =	vld [tilespmem:s28+$0x1080];
	v40 =	vsel vm8, $0x4, v40;
	vm8 =	vgt.f32 v60, v38;
	v59 =	vadd.f32 v33, v3  }
0x8c: {  	v24 =	vadd.s32 v42, v24;
	v28 =	vadd.s32 v58, v28;
	v45 =	vsel vm8, v60, v38  }
0x8d: {  	v58 =	vadd.f32 v35, v9;
	v56 =	vadd.f32 v36, v8;
	vm7 =	vgt.f32 v59, v45  }
0x8e: {  	v39 =	vsel vm8, v46, v39;
	v40 =	vsel vm8, $0x5, v40;
	v38 =	vld [tilespmem:s28+$0x1100];
	v45 =	vsel vm7, v59, v45  }
0x8f: {  	v51 =	vsel vm7, v33, v39;
	v40 =	vsel vm7, $0x6, v40;
	vm7 =	vgt.f32 v58, v45  }
0x90: {  	v44 =	vsel vm9, $0x1, v0;
	v55 =	vadd.f32 v37, v10;
	v39 =	vld [tilespmem:s28+$0x1180];
	v45 =	vsel vm7, v58, v45  }
0x91: {  	v4 =	vsel vm7, v35, v51;
	v51 =	vsel vm7, $0x7, v40;
	v40 =	vld [tilespmem:s28+$0x1200];
	vm7 =	vgt.f32 v56, v45  }
0x92: {  	v27 =	vadd.s32 v49, v27;
	v23 =	vadd.s32 v43, v23;
	v5 =	vsel vm7, v56, v45  }
0x93: {  	v53 =	vadd.f32 v38, v11;
	v49 =	vsel vm7, v36, v4;
	vm8 =	vgt.f32 v55, v5  }
0x94: {  	v41 =	vld [tilespmem:s28+$0x1280];
	v25 =	vadd.s32 v44, v25;
	v4 =	vsel vm8, v55, v5;
	v44 =	vsel vm8, v37, v49  }
0x95: {  	v5 =	vsel vm7, $0x8, v51;
	v51 =	vadd.f32 v39, v12;
	vm7 =	vgt.f32 v53, v4  }
0x96: {  	v42 =	vld [tilespmem:s28+$0x1300];
	v45 =	vsel vm8, $0x9, v5;
	v49 =	vadd.f32 v40, v13;
	v3 =	vsel vm7, v53, v4  }
0x97: {  	v43 =	vld [tilespmem:s28+$0x1380];
	v44 =	vsel vm7, v38, v44;
	v45 =	vsel vm7, $0xA, v45;
	vm7 =	vgt.f32 v51, v3  }
0x98: {  	v3 =	vsel vm7, v51, v3;
	v44 =	vsel vm7, v39, v44  }
0x99: {  	v4 =	vsel vm7, $0xB, v45;
	v45 =	vadd.f32 v41, v14;
	vm7 =	vgt.f32 v49, v3  }
0x9a: {  	v18 =	vadd.s32 v47, v18;
	v5 =	vsel vm6, $0x1, v0;
	v3 =	vsel vm7, v49, v3  }
0x9b: {  	v6 =	vsel vm7, v40, v44;
	v44 =	vadd.f32 v42, v15;
	vm6 =	vgt.f32 v45, v3  }
0x9c: {  	v47 =	vadd.f32 v43, v17;
	v4 =	vsel vm7, $0xC, v4;
	v3 =	vsel vm6, v45, v3  }
0x9d: {  	v6 =	vsel vm6, v41, v6;
	v4 =	vsel vm6, $0xD, v4;
	vm6 =	vgt.f32 v44, v3  }
0x9e: {  	vm0 =	veq.s32 v16, $0x1;
	v3 =	vsel vm6, v44, v3  }
0x9f: {  	v6 =	vsel vm6, v42, v6;
	v4 =	vsel vm6, $0xE, v4;
	vm6 =	vgt.f32 v47, v3  }
0xa0: {  	v5 =	vadd.s32 v5, v19;
	v3 =	vsel vm15, $0x1, v0;
	v6 =	vsel vm6, v43, v6  }
0xa1: {  	v16 =	vsel vm6, $0xF, v4;
	v4 =	vsel vm0, $0x1, v0;
	v3 =	vadd.s32 v3, v21  }
0xa2: {  	s24 =	sadd.s32 $0x10, s24;
	v21 =	vsel vm2, $0x1, v0;
	vm0 =	vne.s32 v16, $0x0;
	vm13 =	veq.s32 v16, $0x7  }
0xa3: {  	[tilespmem:s24+$0x0] =	vst v6;
	vm6 =	veq.s32 v16, $0x9;
	v6 =	vimm.s32 $0x0;
	vm8 =	veq.s32 v16, $0xB  }
0xa4: {  	vm9 =	veq.s32 v16, $0x5;
	vm10 =	veq.s32 v16, $0xC;
	vm5 =	vmand vm5, vm0  }
0xa5: {  	vm11 =	veq.s32 v16, $0x4;
	v6 =	vsel vm6, $0xFFFFFFFF, v6;
	v2 =	vnsel vm5, $0xFF800000, v2  }
0xa6: {  	[tilespmem:$0x1FF80] =	vst v6;
	v6 =	vnsel vm5, $0x0, v57;
	vm5 =	vne.s32 v16, $0x1;
	vm7 =	vgt.f32 v1, v2  }
0xa7: {  	vm12 =	veq.s32 v16, $0xF;
	v57 =	vsel vm8, $0x1, v0;
	vm7 =	vmand vm5, vm7  }
0xa8: {  	vm5 =	veq.s32 v16, $0xE;
	v1 =	vsel vm7, v1, v2;
	v2 =	vsel vm7, v54, v6  }
0xa9: {  	v6 =	vsel vm5, $0x1, v0;
	vm5 =	vne.s32 v16, $0x2;
	vm8 =	vgt.f32 v63, v1  }
0xaa: {  	vm14 =	veq.s32 v16, $0x3;
	v54 =	vsel vm11, $0x1, v0;
	vm8 =	vmand vm5, vm8  }
0xab: {  	vm5 =	veq.s32 v16, $0xA;
	v1 =	vsel vm8, v63, v1;
	v2 =	vsel vm8, v52, v2  }
0xac: {  	v52 =	vsel vm5, $0x1, v0;
	vm5 =	vne.s32 v16, $0x3;
	vm11 =	vgt.f32 v62, v1  }
0xad: {  	vm15 =	veq.s32 v16, $0x0;
	v4 =	vadd.s32 v4, v22;
	vm11 =	vmand vm5, vm11  }
0xae: {  	vm0 =	veq.s32 v16, $0x8;
	v7 =	vsel vm12, $0x1, v0;
	v1 =	vsel vm11, v62, v1  }
0xaf: {  	v63 =	vsel vm0, $0x1, v0;
	vm0 =	vne.s32 v16, $0x4;
	vm5 =	vgt.f32 v61, v1  }
0xb0: {  	vm6 =	vmmov vm1;
	vm1 =	veq.s32 v16, $0xD;
	vm12 =	vmand vm0, vm5  }
0xb1: {  	v19 =	vsel vm14, $0x1, v0;
	vm0 =	veq.s32 v16, $0x6;
	v1 =	vsel vm12, v61, v1  }
0xb2: {  	v61 =	vsel vm0, $0x1, v0;
	vm0 =	vne.s32 v16, $0x5;
	vm14 =	vgt.f32 v60, v1  }
0xb3: {  	v19 =	vadd.s32 v19, v5;
	v25 =	vadd.s32 v7, v25;
	vm14 =	vmand vm0, vm14  }
0xb4: {  	v28 =	vadd.s32 v57, v28;
	v30 =	vadd.s32 v54, v30;
	v1 =	vsel vm14, v60, v1  }
0xb5: {  	v62 =	vsel vm4, $0x1, v0;
	vm4 =	vne.s32 v16, $0x6;
	vm0 =	vgt.f32 v59, v1  }
0xb6: {  	v31 =	vadd.s32 v6, v31;
	v6 =	vsel vm6, $0x1, v0;
	vm4 =	vmand vm4, vm0  }
0xb7: {  	v22 =	vadd.s32 v6, v4;
	v24 =	vadd.s32 v63, v24;
	v1 =	vsel vm4, v59, v1  }
0xb8: {  	v63 =	vsel vm10, $0x1, v0;
	vm0 =	vne.s32 v16, $0x7;
	vm2 =	vgt.f32 v58, v1  }
0xb9: {  	v27 =	vadd.s32 v52, v27;
	v32 =	vadd.s32 v63, v32;
	vm2 =	vmand vm0, vm2  }
0xba: {  	v2 =	vsel vm11, v50, v2;
	v18 =	vadd.s32 v61, v18;
	v1 =	vsel vm2, v58, v1  }
0xbb: {  	v61 =	vsel vm3, $0x1, v0;
	vm0 =	vne.s32 v16, $0x8;
	vm3 =	vgt.f32 v56, v1  }
0xbc: {  	v20 =	vadd.s32 v62, v20;
	v62 =	vsel vm1, $0x1, v0;
	vm3 =	vmand vm0, vm3  }
0xbd: {  	v20 =	vadd.s32 v21, v20;
	v21 =	vadd.s32 v61, v3;
	v1 =	vsel vm3, v56, v1  }
0xbe: {  	v7 =	vld [tilespmem:$0x1FF80];
	v3 =	vsel vm13, $0x1, v0;
	vm0 =	vne.s32 v16, $0x9;
	vm13 =	vgt.f32 v55, v1  }
0xbf: {  	vm5 =	veq.s32 v16, $0x2;
	v23 =	vadd.s32 v62, v23;
	vm13 =	vmand vm0, vm13  }
0xc0: {  	v2 =	vsel vm12, v48, v2;
	v34 =	vadd.s32 v3, v34;
	v1 =	vsel vm13, v55, v1  }
0xc1: {  	v3 =	vsel vm9, $0x1, v0;
	vm0 =	vne.s32 v16, $0xA;
	vm9 =	vgt.f32 v53, v1  }
0xc2: {  	v29 =	vadd.s32 v3, v29;
	v3 =	vsel vm7, $0x1, v0;
	vm9 =	vmand vm0, vm9  }
0xc3: {  	v3 =	vsel vm8, $0x2, v3;
	vm0 =	vnez.u8 v7;
	v1 =	vsel vm9, v53, v1  }
0xc4: {  	v7 =	vsel vm0, $0x1, v0;
	vm0 =	vne.s32 v16, $0xB;
	vm1 =	vgt.f32 v51, v1  }
0xc5: {  	v2 =	vsel vm14, v46, v2;
	v3 =	vsel vm11, $0x3, v3;
	vm6 =	vmand vm0, vm1  }
0xc6: {  	vm7 =	vne.s32 v16, $0xC;
	v3 =	vsel vm12, $0x4, v3;
	v1 =	vsel vm6, v51, v1  }
0xc7: {  	v2 =	vsel vm4, v33, v2;
	v3 =	vsel vm14, $0x5, v3;
	vm8 =	vgt.f32 v49, v1  }
0xc8: {  	v3 =	vsel vm4, $0x6, v3;
	v2 =	vsel vm2, v35, v2;
	vm7 =	vmand vm7, vm8  }
0xc9: {  	v3 =	vsel vm2, $0x7, v3;
	v2 =	vsel vm3, v36, v2;
	v1 =	vsel vm7, v49, v1  }
0xca: {  	v3 =	vsel vm3, $0x8, v3;
	vm8 =	vne.s32 v16, $0xD;
	vm2 =	vgt.f32 v45, v1  }
0xcb: {  	v2 =	vsel vm13, v37, v2;
	v3 =	vsel vm13, $0x9, v3;
	vm2 =	vmand vm8, vm2  }
0xcc: {  	v2 =	vsel vm9, v38, v2;
	v3 =	vsel vm9, $0xA, v3;
	v1 =	vsel vm2, v45, v1  }
0xcd: {  	vm1 =	vne.s32 v16, $0xF;
	vm0 =	vne.s32 v16, $0xE;
	vm3 =	vgt.f32 v44, v1  }
0xce: {  	p0 =	sne.s32 s29, $0x1F0;
	v2 =	vsel vm6, v39, v2;
	v3 =	vsel vm6, $0xB, v3;
	vm0 =	vmand vm0, vm3  }
.Ltmp0:
0xcf: {  	v2 =	vsel vm7, v40, v2;
	v3 =	vsel vm7, $0xC, v3;
	v1 =	vsel vm0, v44, v1;
	(pc) =	sbr.rel @p0 .LBB2_2-.Ltmp0, $4  }
0xd0: {  	v2 =	vsel vm2, v41, v2;
	v3 =	vsel vm2, $0xD, v3;
	vm2 =	vgt.f32 v47, v1  }
0xd1: {  	s26 =	smov.u32 s29;
	v1 =	vsel vm0, v42, v2;
	v2 =	vsel vm0, $0xE, v3;
	vm0 =	vmand vm1, vm2  }
0xd2: {  	s25 =	sadd.s32 $0x10, s25;
	s23 =	sadd.s32 $0x80, s23;
	s26 =	sadd.s32 $0x10, s29;
	v3 =	vsel vm0, v43, v1;
	v33 =	vsel vm0, $0xF, v2;
	v1 =	vadd.s32 v7, v26  }
0xd3: {  	s22 =	sadd.s32 $0x10, s22;
	s21 =	sadd.s32 $0x10, s21;
	s29 =	smov.u32 s26;
	[tilespmem:s25+$0x0] =	vst v3;
	vm3 =	veq.s32 v33, $0x0;
	vm1 =	veq.s32 v33, $0x1;
	vm2 =	veq.s32 v33, $0x2  }
0xd4: {  	vm0 =	veq.s32 v33, $0x3;
	vm7 =	veq.s32 v33, $0x4;
	vm6 =	veq.s32 v33, $0x5  }
0xd5: {  	vm5 =	vmmov vm5;
	vm4 =	veq.s32 v33, $0x6;
	vm8 =	veq.s32 v33, $0x7  }
0xd6: {  	vm9 =	veq.s32 v33, $0x8;
	vm13 =	veq.s32 v33, $0x9;
	vm14 =	veq.s32 v16, $0x1  }
0xd7: {  	v49 =	vsel vm15, $0x1, v0;
	v8 =	vsel vm3, $0x1, v0;
	v50 =	vsel vm1, $0x1, v0  }
0xd8: {  	v9 =	vsel vm2, $0x1, v0;
	vm11 =	veq.s32 v33, $0xB;
	vm12 =	veq.s32 v33, $0xC  }
0xd9: {  	vm15 =	veq.s32 v33, $0xF;
	v2 =	vsel vm4, $0x1, v0;
	v3 =	vsel vm8, $0x1, v0  }
0xda: {  	v4 =	vsel vm9, $0x1, v0;
	v5 =	vsel vm13, $0x1, v0;
	vm4 =	veq.s32 v33, $0xA  }
0xdb: {  	v6 =	vsel vm14, $0x1, v0;
	v7 =	vsel vm5, $0x1, v0;
	v2 =	vadd.s32 v2, v18  }
0xdc: {  	[tilespmem:s22+$0x0] =	vst v16;
	v51 =	vsel vm0, $0x1, v0;
	v3 =	vadd.s32 v3, v34;
	v2 =	vcvt.s32.f32 v2  }
0xdd: {  	[tilespmem:s21+$0x0] =	vst v33;
	v1 =	vadd.s32 v5, v1;
	v5 =	vadd.s32 v49, v21;
	v3 =	vcvt.s32.f32 v3  }
0xde: {  	v6 =	vadd.s32 v6, v22;
	v5 =	vadd.s32 v8, v5;
	v1 =	vcvt.s32.f32 v1;
	[tilespmem:$0x2B80] =	vst v2  }
0xdf: {  	v7 =	vadd.s32 v7, v20;
	v6 =	vadd.s32 v50, v6;
	v5 =	vcvt.s32.f32 v5;
	[tilespmem:$0x2C00] =	vst v3  }
0xe0: {  	v52 =	vsel vm7, $0x1, v0;
	v7 =	vadd.s32 v9, v7;
	v6 =	vcvt.s32.f32 v6;
	[tilespmem:$0x2D00] =	vst v1  }
0xe1: {  	v54 =	vsel vm6, $0x1, v0;
	v8 =	vadd.s32 v51, v19;
	v53 =	vcvt.s32.f32 v7;
	[tilespmem:$0x2880] =	vst v5  }
0xe2: {  	vm13 =	veq.s32 v33, $0xD;
	v9 =	vadd.s32 v52, v30;
	v55 =	vcvt.s32.f32 v8;
	[tilespmem:$0x2900] =	vst v6  }
0xe3: {  	vm14 =	veq.s32 v33, $0xE;
	v7 =	vadd.s32 v54, v29;
	v56 =	vcvt.s32.f32 v9;
	[tilespmem:$0x2980] =	vst v53  }
0xe4: {  	v60 =	vsel vm11, $0x1, v0;
	v4 =	vadd.s32 v4, v24;
	v57 =	vcvt.s32.f32 v7;
	[tilespmem:$0x2A00] =	vst v55  }
0xe5: {  	v59 =	vsel vm4, $0x1, v0;
	v2 =	vcvt.s32.f32 v4;
	v4 =	vadd.s32 v60, v28;
	[tilespmem:$0x2A80] =	vst v56  }
0xe6: {  	v3 =	vsel vm13, $0x1, v0;
	v6 =	vadd.s32 v59, v27;
	v1 =	vcvt.s32.f32 v4;
	[tilespmem:$0x2B00] =	vst v57  }
0xe7: {  	v58 =	vsel vm12, $0x1, v0;
	v3 =	vadd.s32 v3, v23;
	[tilespmem:$0x2C80] =	vst v2;
	v2 =	vcvt.s32.f32 v6  }
0xe8: {  	v63 =	vsel vm15, $0x1, v0;
	v5 =	vadd.s32 v58, v32;
	[tilespmem:$0x2E00] =	vst v1;
	v1 =	vcvt.s32.f32 v3  }
0xe9: {  	v61 =	vsel vm14, $0x1, v0;
	v3 =	vadd.s32 v63, v25;
	[tilespmem:$0x2D80] =	vst v2;
	v2 =	vcvt.s32.f32 v5  }
0xea: {  	v62 =	vadd.s32 v61, v31;
	[tilespmem:$0x2F00] =	vst v1;
	v1 =	vcvt.s32.f32 v3  }
0xeb: {  	[tilespmem:$0x2E80] =	vst v2;
	v2 =	vcvt.s32.f32 v62  }
0xec: {  	[tilespmem:$0x3000] =	vst v1  }
0xed: {  	[tilespmem:$0x2F80] =	vst v2  }
0xee: {  	[hbm4b:s5+s13] =	stream.strided.scatter [tilespmem:s15], [sflag:$0x1], $0x200, s14, s13, $0x38;
	[tilespmem:$0x3080] =	vst v63  }
0xef: {  	_ =	swait.ge [sflag:s11], $0x200  }
0xf0: {  	[sflag:s11] =	ssyncset.done $0x0  }
0xf1: {  	[sflag:s11] =	ssyncadd.s32 $0xFFFFFE00  }
0xf2: {  	[hbm4b:s6+s13] =	stream.strided.scatter [tilespmem:s16], [sflag:$0x1], $0x200, s14, s13, $0x38;
	[tilespmem:$0x3080] =	vst v63  }
0xf3: {  	_ =	swait.ge [sflag:s11], $0x200  }
0xf4: {  	[sflag:s11] =	ssyncset.done $0x0  }
0xf5: {  	[sflag:s11] =	ssyncadd.s32 $0xFFFFFE00  }
0xf6: {  	[hbm4b:s7+s13] =	stream.strided.scatter [tilespmem:s17], [sflag:$0x1], $0x200, s14, s13, $0x38;
	[tilespmem:$0x3080] =	vst v63  }
0xf7: {  	_ =	swait.ge [sflag:s11], $0x200  }
0xf8: {  	[sflag:s11] =	ssyncset.done $0x0  }
0xf9: {  	[sflag:s11] =	ssyncadd.s32 $0xFFFFFE00  }
0xfa: {  	[hbm4b:s8+s13] =	stream.strided.scatter [tilespmem:s18], [sflag:$0x1], $0x200, s14, s13, $0x38;
	[tilespmem:$0x3080] =	vst v63  }
0xfb: {  	s20 =	sadd.s32 $0x1, s20;
	_ =	swait.ge [sflag:s11], $0x200  }
0xfc: {  	p0 =	sne.s32 s20, s10;
	[sflag:s11] =	ssyncset.done $0x0  }
.Ltmp1:
0xfd: {  	[sflag:s11] =	ssyncadd.s32 $0xFFFFFE00;
	(pc) =	sbr.rel @p0 .LBB2_1-.Ltmp1, $4  }
0xfe: {  	[hbm4b:s9+s3] =	stream.linear.scatter [tilespmem:s19], [sflag:$0x1], $0x800, $0x38;
	[tilespmem:$0x3080] =	vst v63  }
0xff: {  	_ =	swait.ge [sflag:s11], $0x800  }
0x100: {  	[sflag:s11] =	ssyncset.done $0x0  }
0x101: {  	[sflag:s11] =	ssyncadd.s32 $0xFFFFF800  }
0x102: {  	_ =	sfence.sel $0x180000  }
0x103: {  	[bflag:$0x0] =	sbarrier.arrive $0xFFFF  }
0x104: {  	p0 =	sne.s32 s2, $0x0;
	_ =	strace $0x90000047  }
0x105: {  	s0 =	sadd.s32 @!p0 $0x100000, s0;
	[bflag:$0x2] =	sbarrier.arrive $0xFFFF  }
0x106: {  	[sflag:s0] =	ssyncadd.tile.s32 @!p0 $0x1;
	_ =	shalt  }
.Lfunc_end2:
_tile_overlayer_lowered:
.L_overlay_start_2:
0x107: {  	(tag) =	ssettag $0x2  }
0x108: {  	s0 =	rddreg [dreg:$0x0];
	s2 =	stileid.u32  }
0x109: {  	s1 =	rddreg [dreg:$0x1];
	p0 =	sne.s32 s2, $0x0  }
0x10a: {  	s3 =	rddreg [dreg:$0x2];
	[bflag:$0x3] =	sbarrier.arrive $0xFFFF;
	s2 =	simm.s32 @!p0 $0x1C01  }
0x10b: {  	[timem:s3], [sflag:s2] =	dma.local @!p0 [hbm:s0], s1  }
0x10c: {  	s0 =	simm.s32 @!p0 $0x1  }
0x10d: {  	_ =	swait.ge @!p0 [sflag:s0], s1  }
0x10e: {  	s1 =	ssub.s32 @!p0 $0x0, s1;
	[sflag:s0] =	ssyncset.done @!p0 $0x0  }
0x10f: {  	[sflag:s0] =	ssyncadd.s32 @!p0 s1  }
0x110: {  	[bflag:$0x3] =	sbarrier.arrive $0xFFFF  }
0x111: {  	_ =	shalt  }

</sc_bundles>
